<compile_context>
chip_gen: v7x
topology: tpu7x:2x2x1
jax: 0.10.2.dev20260603
libtpu: 0.0.44.dev20260713+nightly
codegen_flags: <defaults>
</compile_context>

<pallas_src>
import functools

import jax
import jax.numpy as jnp
from jax import lax
from jax.experimental import pallas as pl
from jax.experimental.pallas import tpu as pltpu
from jax.experimental.pallas import tpu_sc as plsc

N = 10000
E = 160000
D_IN = 256
D_H = 512
D_OUT = 256

NC = 2
NS = 16
L = 16

NPAD = 10240
COLS_PER_TILE = NPAD // NS

BATCH = 128
NB = -(-(E + N) // (NS * BATCH))
ACC_ROWS = NPAD
ROWS_PER_TILE = N // NS
RED_BATCH = 25
IDXCHUNK = 42
NCHUNK = NB // IDXCHUNK


def _rsqrt_newton(d):
  xi = plsc.bitcast(d, jnp.int32)
  i = jnp.int32(0x5F3759DF) - lax.shift_right_logical(xi, 1)
  r = plsc.bitcast(i, jnp.float32)
  for _ in range(3):
    r = r * (1.5 - 0.5 * d * r * r)
  return r



EPT_A = E // NS


def _stats_body(src_hbm, dst_hbm, dis_hbm, w_hbm,
                part_v, idx_v, idx2_v, disfull_v, red_v, chunk_v,
                stage_sh, dis_sh):
  c = lax.axis_index("c")
  s = lax.axis_index("s")

  @pl.when(c == 0)
  def _():
    zeros16 = jnp.zeros((L,), jnp.float32)
    ones16 = jnp.ones((L,), jnp.float32)

    def zero_part(i, _):
      part_v[pl.ds(i * L, L)] = zeros16
      return 0
    lax.fori_loop(0, NPAD // L, zero_part, 0)

    pltpu.sync_copy(dst_hbm.at[pl.ds(s * EPT_A, EPT_A)], idx_v)

    def deg_step(i, _):
      d_idx = idx_v[pl.ds(i * L, L)]
      plsc.addupdate_scatter(part_v, [d_idx], ones16)
      return 0
    lax.fori_loop(0, EPT_A // L, deg_step, 0)

    pltpu.sync_copy(part_v, stage_sh.at[s])
    plsc.subcore_barrier()

    col0 = s * COLS_PER_TILE
    pltpu.sync_copy(stage_sh.at[:, pl.ds(col0, COLS_PER_TILE)], red_v)

    def dis_step(k, _):
      acc = red_v[0, pl.ds(k * L, L)]
      for t in range(1, NS):
        acc = acc + red_v[t, pl.ds(k * L, L)]
      chunk_v[pl.ds(k * L, L)] = _rsqrt_newton(acc + 1.0)
      return 0
    lax.fori_loop(0, COLS_PER_TILE // L, dis_step, 0)

    pltpu.sync_copy(chunk_v, dis_hbm.at[pl.ds(col0, COLS_PER_TILE)])
    pltpu.sync_copy(chunk_v, dis_sh.at[pl.ds(col0, COLS_PER_TILE)])
    plsc.subcore_barrier()

    pltpu.sync_copy(dis_sh, disfull_v)
    pltpu.sync_copy(src_hbm.at[pl.ds(s * EPT_A, EPT_A)], idx2_v)

    lax.fori_loop(0, NPAD // L, zero_part, 0)

    def t_step(i, _):
      d_idx = idx_v[pl.ds(i * L, L)]
      s_idx = idx2_v[pl.ds(i * L, L)]
      dvals = plsc.load_gather(disfull_v, [d_idx])
      plsc.addupdate_scatter(part_v, [s_idx], dvals)
      return 0
    lax.fori_loop(0, EPT_A // L, t_step, 0)

    pltpu.sync_copy(part_v, stage_sh.at[s])
    plsc.subcore_barrier()

    pltpu.sync_copy(stage_sh.at[:, pl.ds(col0, COLS_PER_TILE)], red_v)

    def w_step(k, _):
      acc = red_v[0, pl.ds(k * L, L)]
      for t in range(1, NS):
        acc = acc + red_v[t, pl.ds(k * L, L)]
      dv = disfull_v[pl.ds(col0 + k * L, L)]
      chunk_v[pl.ds(k * L, L)] = dv * (acc + dv)
      return 0
    lax.fori_loop(0, COLS_PER_TILE // L, w_step, 0)

    pltpu.sync_copy(chunk_v, w_hbm.at[pl.ds(col0, COLS_PER_TILE)])


@functools.partial(jax.jit, static_argnames=())
def _sc_stats(src, dst):
  mesh = plsc.VectorSubcoreMesh(core_axis_name="c", subcore_axis_name="s")
  f = pl.kernel(
      _stats_body,
      out_type=(
          jax.ShapeDtypeStruct((NPAD,), jnp.float32),
          jax.ShapeDtypeStruct((NPAD,), jnp.float32),
      ),
      mesh=mesh,
      scratch_types=[
          pltpu.VMEM((NPAD,), jnp.float32),
          pltpu.VMEM((EPT_A,), jnp.int32),
          pltpu.VMEM((EPT_A,), jnp.int32),
          pltpu.VMEM((NPAD,), jnp.float32),
          pltpu.VMEM((NS, COLS_PER_TILE), jnp.float32),
          pltpu.VMEM((COLS_PER_TILE,), jnp.float32),
          pltpu.VMEM_SHARED((NS, NPAD), jnp.float32),
          pltpu.VMEM_SHARED((NPAD,), jnp.float32),
      ],
      compiler_params=pltpu.CompilerParams(use_tc_tiling_on_sc=False, needs_layout_passes=False),
  )
  return f(src, dst)



BM = 400


def _mm_body(x_ref, w_ref, dis_ref, out_ref):
  y = dis_ref[...] * jnp.dot(
      x_ref[...].astype(jnp.bfloat16), w_ref[...].astype(jnp.bfloat16),
      preferred_element_type=jnp.float32)
  out_ref[...] = y.astype(jnp.bfloat16).reshape(2 * BM, D_H // 2)


def _tc_scaled_mm(x, W1, dis2):
  return pl.pallas_call(
      _mm_body,
      out_shape=jax.ShapeDtypeStruct((NC * N, D_H // 2), jnp.bfloat16),
      grid=(N // BM,),
      in_specs=[
          pl.BlockSpec((BM, D_IN), lambda i: (i, 0)),
          pl.BlockSpec((D_IN, D_H), lambda i: (0, 0)),
          pl.BlockSpec((BM, 1), lambda i: (i, 0)),
      ],
      out_specs=pl.BlockSpec((2 * BM, D_H // 2), lambda i: (i, 0)),
  )(x, W1, dis2)



SLAB = D_H // NC


def _msg_body(src_hbm, dst_hbm, y2_hbm, out_hbm,
              gidx_v, didx_v, buf0, buf1, zbuf,
              sem0, sem1, sem2, sem3, acc_sh):
  c = lax.axis_index("c")
  s = lax.axis_index("s")
  iota16 = lax.iota(jnp.int32, L)
  CH = IDXCHUNK * BATCH
  zeros32 = jnp.zeros((2 * L,), jnp.bfloat16)

  def zb(i, _):
    for f in range(SLAB // (2 * L)):
      zbuf[i, pl.ds(f * 2 * L, 2 * L)] = zeros32
    return 0
  lax.fori_loop(0, 16, zb, 0)

  for z in range(COLS_PER_TILE // 16):
    pltpu.sync_copy(zbuf, acc_sh.at[pl.ds(s * COLS_PER_TILE + z * 16, 16)])
  plsc.subcore_barrier()

  def fire_g(j, buf, sem):
    pltpu.async_copy(y2_hbm.at[gidx_v.at[pl.ds(j * BATCH, BATCH)]], buf, sem)

  def wait_g_fire_s(j, buf, gsem, ssem):
    pltpu.make_async_copy(
        y2_hbm.at[gidx_v.at[pl.ds(j * BATCH, BATCH)]], buf, gsem).wait()
    pltpu.async_copy(
        buf, acc_sh.at[didx_v.at[pl.ds(j * BATCH, BATCH)]], ssem, add=True)

  def wait_s(j, buf, ssem):
    pltpu.make_async_copy(
        buf, acc_sh.at[didx_v.at[pl.ds(j * BATCH, BATCH)]], ssem).wait()

  def chunk_step(ic, _):
    w0 = (s * NB + ic * IDXCHUNK) * BATCH

    @pl.when(w0 + CH <= E)
    def _():
      pltpu.sync_copy(src_hbm.at[pl.ds(w0, CH)], gidx_v)
      pltpu.sync_copy(dst_hbm.at[pl.ds(w0, CH)], didx_v)

    @pl.when((w0 < E) & (w0 + CH > E))
    def _():
      rem = E % CH
      pltpu.sync_copy(src_hbm.at[pl.ds(E - rem, rem)],
                      gidx_v.at[pl.ds(0, rem)])
      pltpu.sync_copy(dst_hbm.at[pl.ds(E - rem, rem)],
                      didx_v.at[pl.ds(0, rem)])

    def asm_step(i, _):
      g = w0 + i * L + iota16
      sv = gidx_v[pl.ds(i * L, L)]
      dv = didx_v[pl.ds(i * L, L)]
      selfid = g - E
      src_val = jnp.where(g < E, sv, jnp.where(g < E + N, selfid, 0))
      dst_val = jnp.where(g < E, dv, jnp.where(g < E + N, selfid, N))
      gidx_v[pl.ds(i * L, L)] = src_val * NC + c
      didx_v[pl.ds(i * L, L)] = dst_val
      return 0
    lax.fori_loop(0, CH // L, asm_step, 0)
    fire_g(0, buf0, sem0)
    fire_g(1, buf1, sem1)

    def edge_step(t, _):
      j = t * 2
      wait_g_fire_s(j, buf0, sem0, sem2)
      wait_g_fire_s(j + 1, buf1, sem1, sem3)
      wait_s(j, buf0, sem2)

      @pl.when(j + 2 < IDXCHUNK)
      def _():
        fire_g(j + 2, buf0, sem0)

      wait_s(j + 1, buf1, sem3)

      @pl.when(j + 3 < IDXCHUNK)
      def _():
        fire_g(j + 3, buf1, sem1)

      return 0
    lax.fori_loop(0, IDXCHUNK // 2, edge_step, 0)
    return 0
  lax.fori_loop(0, NCHUNK, chunk_step, 0)

  plsc.subcore_barrier()

  pltpu.sync_copy(acc_sh.at[pl.ds(s * COLS_PER_TILE, COLS_PER_TILE)],
                  out_hbm.at[c, pl.ds(s * COLS_PER_TILE, COLS_PER_TILE)])


def _sc_message(src, dst, y2):
  mesh = plsc.VectorSubcoreMesh(core_axis_name="c", subcore_axis_name="s")
  f = pl.kernel(
      _msg_body,
      out_type=jax.ShapeDtypeStruct((NC, NPAD, SLAB), jnp.bfloat16),
      mesh=mesh,
      scratch_types=[
          pltpu.VMEM((IDXCHUNK * BATCH,), jnp.int32),
          pltpu.VMEM((IDXCHUNK * BATCH,), jnp.int32),
          pltpu.VMEM((BATCH, SLAB), jnp.bfloat16),
          pltpu.VMEM((BATCH, SLAB), jnp.bfloat16),
          pltpu.VMEM((16, SLAB), jnp.bfloat16),
          pltpu.SemaphoreType.DMA,
          pltpu.SemaphoreType.DMA,
          pltpu.SemaphoreType.DMA,
          pltpu.SemaphoreType.DMA,
          pltpu.VMEM_SHARED((ACC_ROWS, SLAB), jnp.bfloat16),
      ],
      compiler_params=pltpu.CompilerParams(use_tc_tiling_on_sc=False, needs_layout_passes=False),
  )
  return f(src, dst, y2)



BMD = 400


def _red_body(acc_ref, dis_ref, w_ref, b1_ref, w2_ref, b2_ref, out_ref, s_scr):
  i = pl.program_id(0)

  @pl.when(i == 0)
  def _():
    s_scr[...] = jnp.zeros_like(s_scr)

  dis = dis_ref[...]
  wv = w_ref[...]
  for p in range(NC):
    h = jnp.maximum(
        dis * acc_ref[p].astype(jnp.float32) + b1_ref[p], 0.0)
    s_scr[p] += jnp.sum(wv * h, axis=0, keepdims=True)

  @pl.when(i == (N // BMD) - 1)
  def _():
    acc = jnp.zeros((1, D_OUT), jnp.float32)
    for p in range(NC):
      acc = acc + jnp.dot(s_scr[p], w2_ref[p],
                          preferred_element_type=jnp.float32)
    out_ref[...] = acc * (1.0 / N) + b2_ref[...]


def _tc_reduce(acc2, dis2, w2col, b1r, W2r, b2r):
  return pl.pallas_call(
      _red_body,
      out_shape=jax.ShapeDtypeStruct((1, D_OUT), jnp.float32),
      grid=(N // BMD,),
      in_specs=[
          pl.BlockSpec((NC, BMD, SLAB), lambda i: (0, i, 0)),
          pl.BlockSpec((BMD, 1), lambda i: (i, 0)),
          pl.BlockSpec((BMD, 1), lambda i: (i, 0)),
          pl.BlockSpec((NC, 1, SLAB), lambda i: (0, 0, 0)),
          pl.BlockSpec((NC, SLAB, D_OUT), lambda i: (0, 0, 0)),
          pl.BlockSpec((1, D_OUT), lambda i: (0, 0)),
      ],
      out_specs=pl.BlockSpec((1, D_OUT), lambda i: (0, 0)),
      scratch_shapes=[pltpu.VMEM((NC, 1, SLAB), jnp.float32)],
  )(acc2, dis2, w2col, b1r, W2r, b2r)



def kernel(x, edge_index, W1, b1, W2, b2):
  src = edge_index[0]
  dst = edge_index[1]

  dis_pad, w_pad = _sc_stats(src, dst)
  dis = dis_pad[:N]

  y2 = _tc_scaled_mm(x, W1, dis.reshape(N, 1))

  acc2 = _sc_message(src, dst, y2)

  out = _tc_reduce(acc2,
                   dis.reshape(N, 1),
                   w_pad[:N].reshape(N, 1),
                   b1.reshape(NC, 1, SLAB),
                   W2.reshape(NC, SLAB, D_OUT),
                   b2.reshape(1, D_OUT))
  return out.reshape(D_OUT)

# --- scband reference (transcript-rebuilt; emitter-appended) ---
"""Pipeline reference for scband-gcnembedder-new-16896401343159 (READ-ONLY COPY).

The authoritative reference and input builder live on the scoring server;
editing this copy changes nothing except your own understanding.
"""

import jax, jax.numpy as jnp
import numpy as np

N = 10000
E = 160000
D_IN = 256
D_H = 512
D_OUT = 256


def setup_inputs(seed: int = 0) -> dict:
    key = jax.random.key(seed)
    k1, k2, k3, k4, k5, k6 = jax.random.split(key, 6)
    x = jax.random.normal(k1, (N, D_IN), dtype=jnp.float32)
    edge_index = jax.random.randint(k2, (2, E), 0, N, dtype=jnp.int32)
    W1 = jax.random.normal(k3, (D_IN, D_H), dtype=jnp.float32) * (1.0 / np.sqrt(D_IN))
    b1 = jnp.zeros((D_H,), dtype=jnp.float32)
    W2 = jax.random.normal(k4, (D_H, D_OUT), dtype=jnp.float32) * (1.0 / np.sqrt(D_H))
    b2 = jnp.zeros((D_OUT,), dtype=jnp.float32)
    return {"x": x, "edge_index": edge_index, "W1": W1, "b1": b1, "W2": W2, "b2": b2}


def _gcn_conv(x, edge_index, W, b, num_nodes):
    # PyG-style GCNConv: add self-loops, symmetric normalization D^-1/2 (A+I) D^-1/2, then linear.
    src = edge_index[0]
    dst = edge_index[1]
    loop = jnp.arange(num_nodes, dtype=src.dtype)
    src = jnp.concatenate([src, loop], axis=0)
    dst = jnp.concatenate([dst, loop], axis=0)
    deg = jnp.zeros((num_nodes,), dtype=x.dtype).at[dst].add(1.0)
    deg_inv_sqrt = jnp.where(deg > 0, deg ** -0.5, 0.0)
    norm = deg_inv_sqrt[src] * deg_inv_sqrt[dst]
    xw = x @ W
    msg = xw[src] * norm[:, None]
    out = jnp.zeros((num_nodes, W.shape[1]), dtype=x.dtype).at[dst].add(msg)
    return out + b


def reference(x, edge_index, W1, b1, W2, b2):
    h = jax.nn.relu(_gcn_conv(x, edge_index, W1, b1, N))
    h = _gcn_conv(h, edge_index, W2, b2, N)
    return jnp.mean(h, axis=0)

if __name__ == "__main__":
    import jax
    _d = setup_inputs()
    print(jax.jit(kernel)(*tuple(_d.values())))

</pallas_src>

<mosaic_0001>
#map = affine_map<(d0, d1) -> (0)>
module attributes {stable_mosaic.version = 14 : i64} {
  func.func @_stats_body(%arg0: i32, %arg1: i32, %arg2: memref<160000xi32, #tpu.memory_space<hbm>>, %arg3: memref<160000xi32, #tpu.memory_space<hbm>>, %arg4: memref<10240xf32, #tpu.memory_space<hbm>>, %arg5: memref<10240xf32, #tpu.memory_space<hbm>>, %arg6: memref<10240xf32, #tpu.memory_space<vmem>>, %arg7: memref<10000xi32, #tpu.memory_space<vmem>>, %arg8: memref<10000xi32, #tpu.memory_space<vmem>>, %arg9: memref<10240xf32, #tpu.memory_space<vmem>>, %arg10: memref<16x640xf32, #tpu.memory_space<vmem>>, %arg11: memref<640xf32, #tpu.memory_space<vmem>>, %arg12: memref<16x10240xf32, #tpu.memory_space<vmem_shared>>, %arg13: memref<10240xf32, #tpu.memory_space<vmem_shared>>) attributes {dimension_semantics = [#tpu.dimension_semantics<core_parallel>, #tpu.dimension_semantics<subcore_parallel>], iteration_bounds = array<i64: 2, 16>, scalar_prefetch = 0 : i64, scratch_operands = 8 : i64, tpu.core_type = #tpu.core_type<sc_vector_subcore>, window_params = [{transform_indices = #map}, {transform_indices = #map}, {transform_indices = #map}, {transform_indices = #map}]} {
    %eq3A = arith.constant 0 : i32
    %eq3A_0 = arith.cmpi eq, %arg0, %eq3A : i32
    %convert_element_type3A = arith.extui %eq3A_0 : i1 to i32
    %cond3A = arith.constant 0 : i32
    %cond3A_1 = arith.cmpi ne, %convert_element_type3A, %cond3A : i32
    scf.if %cond3A_1 {
      %broadcast_in_dim3A = arith.constant 0.000000e+00 : f32
      %broadcast_in_dim3A_2 = vector.broadcast %broadcast_in_dim3A : f32 to vector<16xf32>
      %broadcast_in_dim3A_3 = arith.constant 1.000000e+00 : f32
      %broadcast_in_dim3A_4 = vector.broadcast %broadcast_in_dim3A_3 : f32 to vector<16xf32>
      %scan3A = arith.constant 0 : i32
      %scan3A_5 = arith.constant 0 : i32
      %scan3A_6 = arith.constant 640 : i32
      %scan3A_7 = arith.addi %scan3A_5, %scan3A_6 : i32
      %scan3A_8 = arith.constant 1 : i32
      %scan3A_9 = scf.for %scan3A_53 = %scan3A_5 to %scan3A_7 step %scan3A_8 iter_args(%scan3A_54 = %scan3A) -> (i32)  : i32 {
        %mul3A_55 = arith.constant 16 : i32
        %mul3A_56 = arith.muli %scan3A_53, %mul3A_55 : i32
        %swap3A = arith.index_cast %mul3A_56 : i32 to index
        %swap3A_57 = tpu.vector_load %arg6[%swap3A] {strides = array<i32>} : memref<10240xf32, #tpu.memory_space<vmem>>, vector<16xf32>,
        tpu.vector_store %arg6[%swap3A], %broadcast_in_dim3A_2 {strides = array<i32>} : memref<10240xf32, #tpu.memory_space<vmem>>, vector<16xf32>,
        %scan3A_58 = arith.constant 0 : i32
        scf.yield %scan3A_58 : i32
      }
      %scan3A_10 = arith.constant 640 : i32
      %mul3A = arith.constant 10000 : i32
      %mul3A_11 = arith.muli %arg1, %mul3A : i32
      "tpu.region"() ({
        %run_scoped3A = tpu.sem_alloc : memref<!tpu.dma_semaphore, #tpu.memory_space<semaphore_mem>>
        %dma_start3A = tpu.memref_slice %arg3[%mul3A_11] : memref<160000xi32, #tpu.memory_space<hbm>> -> memref<10000xi32, #tpu.memory_space<hbm>>
        %dma_start3A_53 = tpu.memref_slice %arg3[%mul3A_11] : memref<160000xi32, #tpu.memory_space<hbm>> -> memref<10000xi32, #tpu.memory_space<hbm>>
        tpu.enqueue_dma source(%dma_start3A_53 : memref<10000xi32, #tpu.memory_space<hbm>>) target(%arg7 : memref<10000xi32, #tpu.memory_space<vmem>>) target_semaphore(%run_scoped3A : memref<!tpu.dma_semaphore, #tpu.memory_space<semaphore_mem>>)
        %dma_wait3A = tpu.memref_slice %arg3[%mul3A_11] : memref<160000xi32, #tpu.memory_space<hbm>> -> memref<10000xi32, #tpu.memory_space<hbm>>
        %dma_wait3A_54 = tpu.memref_slice %arg3[%mul3A_11] : memref<160000xi32, #tpu.memory_space<hbm>> -> memref<10000xi32, #tpu.memory_space<hbm>>
        tpu.wait_dma2 semaphore(%run_scoped3A : memref<!tpu.dma_semaphore, #tpu.memory_space<semaphore_mem>>) src(%dma_wait3A_54 : memref<10000xi32, #tpu.memory_space<hbm>>) dst(%arg7 : memref<10000xi32, #tpu.memory_space<vmem>>)
        tpu.yield
      }) : () -> ()
      %scan3A_12 = arith.constant 0 : i32
      %scan3A_13 = arith.constant 0 : i32
      %scan3A_14 = arith.constant 625 : i32
      %scan3A_15 = arith.addi %scan3A_13, %scan3A_14 : i32
      %scan3A_16 = arith.constant 1 : i32
      %scan3A_17 = scf.for %scan3A_53 = %scan3A_13 to %scan3A_15 step %scan3A_16 iter_args(%scan3A_54 = %scan3A_12) -> (i32)  : i32 {
        %mul3A_55 = arith.constant 16 : i32
        %mul3A_56 = arith.muli %scan3A_53, %mul3A_55 : i32
        %get3A = arith.index_cast %mul3A_56 : i32 to index
        %get3A_57 = tpu.vector_load %arg7[%get3A] {strides = array<i32>} : memref<10000xi32, #tpu.memory_space<vmem>>, vector<16xi32>,
        tpu.vector_store_idx %arg6[%get3A_57], %broadcast_in_dim3A_4 {add = true} : memref<10240xf32, #tpu.memory_space<vmem>>[vector<16xi32>], vector<16xf32>,
        %scan3A_58 = arith.constant 0 : i32
        scf.yield %scan3A_58 : i32
      }
      %scan3A_18 = arith.constant 625 : i32
      "tpu.region"() ({
        %run_scoped3A = tpu.sem_alloc : memref<!tpu.dma_semaphore, #tpu.memory_space<semaphore_mem>>
        %dma_start3A = arith.constant 0 : i32
        %dma_start3A_53 = tpu.memref_slice %arg12[%arg1, %dma_start3A] : memref<16x10240xf32, #tpu.memory_space<vmem_shared>> -> memref<1x10240xf32, #tpu.memory_space<vmem_shared>>
        %dma_start3A_54 = tpu.memref_squeeze %dma_start3A_53 : memref<1x10240xf32, #tpu.memory_space<vmem_shared>> -> memref<10240xf32, #tpu.memory_space<vmem_shared>>
        %dma_start3A_55 = arith.constant 0 : i32
        %dma_start3A_56 = tpu.memref_slice %arg12[%arg1, %dma_start3A_55] : memref<16x10240xf32, #tpu.memory_space<vmem_shared>> -> memref<1x10240xf32, #tpu.memory_space<vmem_shared>>
        %dma_start3A_57 = tpu.memref_squeeze %dma_start3A_56 : memref<1x10240xf32, #tpu.memory_space<vmem_shared>> -> memref<10240xf32, #tpu.memory_space<vmem_shared>>
        tpu.enqueue_dma source(%arg6 : memref<10240xf32, #tpu.memory_space<vmem>>) target(%dma_start3A_57 : memref<10240xf32, #tpu.memory_space<vmem_shared>>) target_semaphore(%run_scoped3A : memref<!tpu.dma_semaphore, #tpu.memory_space<semaphore_mem>>)
        %dma_wait3A = arith.constant 0 : i32
        %dma_wait3A_58 = tpu.memref_slice %arg12[%arg1, %dma_wait3A] : memref<16x10240xf32, #tpu.memory_space<vmem_shared>> -> memref<1x10240xf32, #tpu.memory_space<vmem_shared>>
        %dma_wait3A_59 = tpu.memref_squeeze %dma_wait3A_58 : memref<1x10240xf32, #tpu.memory_space<vmem_shared>> -> memref<10240xf32, #tpu.memory_space<vmem_shared>>
        %dma_wait3A_60 = arith.constant 0 : i32
        %dma_wait3A_61 = tpu.memref_slice %arg12[%arg1, %dma_wait3A_60] : memref<16x10240xf32, #tpu.memory_space<vmem_shared>> -> memref<1x10240xf32, #tpu.memory_space<vmem_shared>>
        %dma_wait3A_62 = tpu.memref_squeeze %dma_wait3A_61 : memref<1x10240xf32, #tpu.memory_space<vmem_shared>> -> memref<10240xf32, #tpu.memory_space<vmem_shared>>
        tpu.wait_dma2 semaphore(%run_scoped3A : memref<!tpu.dma_semaphore, #tpu.memory_space<semaphore_mem>>) src(%arg6 : memref<10240xf32, #tpu.memory_space<vmem>>) dst(%dma_wait3A_62 : memref<10240xf32, #tpu.memory_space<vmem_shared>>)
        tpu.yield
      }) : () -> ()
      %barrier3A = arith.constant 0 : index
      tpu.barrier barrier_id(%barrier3A)
      %mul3A_19 = arith.constant 640 : i32
      %mul3A_20 = arith.muli %arg1, %mul3A_19 : i32
      "tpu.region"() ({
        %run_scoped3A = tpu.sem_alloc : memref<!tpu.dma_semaphore, #tpu.memory_space<semaphore_mem>>
        %dma_start3A = arith.constant 0 : i32
        %dma_start3A_53 = tpu.memref_slice %arg12[%dma_start3A, %mul3A_20] : memref<16x10240xf32, #tpu.memory_space<vmem_shared>> -> memref<16x640xf32, #tpu.memory_space<vmem_shared>>
        %dma_start3A_54 = arith.constant 0 : i32
        %dma_start3A_55 = tpu.memref_slice %arg12[%dma_start3A_54, %mul3A_20] : memref<16x10240xf32, #tpu.memory_space<vmem_shared>> -> memref<16x640xf32, #tpu.memory_space<vmem_shared>>
        tpu.enqueue_dma source(%dma_start3A_55 : memref<16x640xf32, #tpu.memory_space<vmem_shared>>) target(%arg10 : memref<16x640xf32, #tpu.memory_space<vmem>>) target_semaphore(%run_scoped3A : memref<!tpu.dma_semaphore, #tpu.memory_space<semaphore_mem>>)
        %dma_wait3A = arith.constant 0 : i32
        %dma_wait3A_56 = tpu.memref_slice %arg12[%dma_wait3A, %mul3A_20] : memref<16x10240xf32, #tpu.memory_space<vmem_shared>> -> memref<16x640xf32, #tpu.memory_space<vmem_shared>>
        %dma_wait3A_57 = arith.constant 0 : i32
        %dma_wait3A_58 = tpu.memref_slice %arg12[%dma_wait3A_57, %mul3A_20] : memref<16x10240xf32, #tpu.memory_space<vmem_shared>> -> memref<16x640xf32, #tpu.memory_space<vmem_shared>>
        tpu.wait_dma2 semaphore(%run_scoped3A : memref<!tpu.dma_semaphore, #tpu.memory_space<semaphore_mem>>) src(%dma_wait3A_58 : memref<16x640xf32, #tpu.memory_space<vmem_shared>>) dst(%arg10 : memref<16x640xf32, #tpu.memory_space<vmem>>)
        tpu.yield
      }) : () -> ()
      %scan3A_21 = arith.constant 0 : i32
      %scan3A_22 = arith.constant 0 : i32
      %scan3A_23 = arith.constant 40 : i32
      %scan3A_24 = arith.addi %scan3A_22, %scan3A_23 : i32
      %scan3A_25 = arith.constant 1 : i32
      %scan3A_26 = scf.for %scan3A_53 = %scan3A_22 to %scan3A_24 step %scan3A_25 iter_args(%scan3A_54 = %scan3A_21) -> (i32)  : i32 {
        %mul3A_55 = arith.constant 16 : i32
        %mul3A_56 = arith.muli %scan3A_53, %mul3A_55 : i32
        %get3A = arith.constant 0 : i32
        %get3A_57 = arith.index_cast %get3A : i32 to index
        %get3A_58 = arith.index_cast %mul3A_56 : i32 to index
        %get3A_59 = tpu.vector_load %arg10[%get3A_57, %get3A_58] {strides = array<i32>} : memref<16x640xf32, #tpu.memory_space<vmem>>, vector<16xf32>,
        %mul3A_60 = arith.constant 16 : i32
        %mul3A_61 = arith.muli %scan3A_53, %mul3A_60 : i32
        %get3A_62 = arith.constant 1 : i32
        %get3A_63 = arith.index_cast %get3A_62 : i32 to index
        %get3A_64 = arith.index_cast %mul3A_61 : i32 to index
        %get3A_65 = tpu.vector_load %arg10[%get3A_63, %get3A_64] {strides = array<i32>} : memref<16x640xf32, #tpu.memory_space<vmem>>, vector<16xf32>,
        %add3A = arith.addf %get3A_59, %get3A_65 : vector<16xf32>
        %mul3A_66 = arith.constant 16 : i32
        %mul3A_67 = arith.muli %scan3A_53, %mul3A_66 : i32
        %get3A_68 = arith.constant 2 : i32
        %get3A_69 = arith.index_cast %get3A_68 : i32 to index
        %get3A_70 = arith.index_cast %mul3A_67 : i32 to index
        %get3A_71 = tpu.vector_load %arg10[%get3A_69, %get3A_70] {strides = array<i32>} : memref<16x640xf32, #tpu.memory_space<vmem>>, vector<16xf32>,
        %add3A_72 = arith.addf %add3A, %get3A_71 : vector<16xf32>
        %mul3A_73 = arith.constant 16 : i32
        %mul3A_74 = arith.muli %scan3A_53, %mul3A_73 : i32
        %get3A_75 = arith.constant 3 : i32
        %get3A_76 = arith.index_cast %get3A_75 : i32 to index
        %get3A_77 = arith.index_cast %mul3A_74 : i32 to index
        %get3A_78 = tpu.vector_load %arg10[%get3A_76, %get3A_77] {strides = array<i32>} : memref<16x640xf32, #tpu.memory_space<vmem>>, vector<16xf32>,
        %add3A_79 = arith.addf %add3A_72, %get3A_78 : vector<16xf32>
        %mul3A_80 = arith.constant 16 : i32
        %mul3A_81 = arith.muli %scan3A_53, %mul3A_80 : i32
        %get3A_82 = arith.constant 4 : i32
        %get3A_83 = arith.index_cast %get3A_82 : i32 to index
        %get3A_84 = arith.index_cast %mul3A_81 : i32 to index
        %get3A_85 = tpu.vector_load %arg10[%get3A_83, %get3A_84] {strides = array<i32>} : memref<16x640xf32, #tpu.memory_space<vmem>>, vector<16xf32>,
        %add3A_86 = arith.addf %add3A_79, %get3A_85 : vector<16xf32>
        %mul3A_87 = arith.constant 16 : i32
        %mul3A_88 = arith.muli %scan3A_53, %mul3A_87 : i32
        %get3A_89 = arith.constant 5 : i32
        %get3A_90 = arith.index_cast %get3A_89 : i32 to index
        %get3A_91 = arith.index_cast %mul3A_88 : i32 to index
        %get3A_92 = tpu.vector_load %arg10[%get3A_90, %get3A_91] {strides = array<i32>} : memref<16x640xf32, #tpu.memory_space<vmem>>, vector<16xf32>,
        %add3A_93 = arith.addf %add3A_86, %get3A_92 : vector<16xf32>
        %mul3A_94 = arith.constant 16 : i32
        %mul3A_95 = arith.muli %scan3A_53, %mul3A_94 : i32
        %get3A_96 = arith.constant 6 : i32
        %get3A_97 = arith.index_cast %get3A_96 : i32 to index
        %get3A_98 = arith.index_cast %mul3A_95 : i32 to index
        %get3A_99 = tpu.vector_load %arg10[%get3A_97, %get3A_98] {strides = array<i32>} : memref<16x640xf32, #tpu.memory_space<vmem>>, vector<16xf32>,
        %add3A_100 = arith.addf %add3A_93, %get3A_99 : vector<16xf32>
        %mul3A_101 = arith.constant 16 : i32
        %mul3A_102 = arith.muli %scan3A_53, %mul3A_101 : i32
        %get3A_103 = arith.constant 7 : i32
        %get3A_104 = arith.index_cast %get3A_103 : i32 to index
        %get3A_105 = arith.index_cast %mul3A_102 : i32 to index
        %get3A_106 = tpu.vector_load %arg10[%get3A_104, %get3A_105] {strides = array<i32>} : memref<16x640xf32, #tpu.memory_space<vmem>>, vector<16xf32>,
        %add3A_107 = arith.addf %add3A_100, %get3A_106 : vector<16xf32>
        %mul3A_108 = arith.constant 16 : i32
        %mul3A_109 = arith.muli %scan3A_53, %mul3A_108 : i32
        %get3A_110 = arith.constant 8 : i32
        %get3A_111 = arith.index_cast %get3A_110 : i32 to index
        %get3A_112 = arith.index_cast %mul3A_109 : i32 to index
        %get3A_113 = tpu.vector_load %arg10[%get3A_111, %get3A_112] {strides = array<i32>} : memref<16x640xf32, #tpu.memory_space<vmem>>, vector<16xf32>,
        %add3A_114 = arith.addf %add3A_107, %get3A_113 : vector<16xf32>
        %mul3A_115 = arith.constant 16 : i32
        %mul3A_116 = arith.muli %scan3A_53, %mul3A_115 : i32
        %get3A_117 = arith.constant 9 : i32
        %get3A_118 = arith.index_cast %get3A_117 : i32 to index
        %get3A_119 = arith.index_cast %mul3A_116 : i32 to index
        %get3A_120 = tpu.vector_load %arg10[%get3A_118, %get3A_119] {strides = array<i32>} : memref<16x640xf32, #tpu.memory_space<vmem>>, vector<16xf32>,
        %add3A_121 = arith.addf %add3A_114, %get3A_120 : vector<16xf32>
        %mul3A_122 = arith.constant 16 : i32
        %mul3A_123 = arith.muli %scan3A_53, %mul3A_122 : i32
        %get3A_124 = arith.constant 10 : i32
        %get3A_125 = arith.index_cast %get3A_124 : i32 to index
        %get3A_126 = arith.index_cast %mul3A_123 : i32 to index
        %get3A_127 = tpu.vector_load %arg10[%get3A_125, %get3A_126] {strides = array<i32>} : memref<16x640xf32, #tpu.memory_space<vmem>>, vector<16xf32>,
        %add3A_128 = arith.addf %add3A_121, %get3A_127 : vector<16xf32>
        %mul3A_129 = arith.constant 16 : i32
        %mul3A_130 = arith.muli %scan3A_53, %mul3A_129 : i32
        %get3A_131 = arith.constant 11 : i32
        %get3A_132 = arith.index_cast %get3A_131 : i32 to index
        %get3A_133 = arith.index_cast %mul3A_130 : i32 to index
        %get3A_134 = tpu.vector_load %arg10[%get3A_132, %get3A_133] {strides = array<i32>} : memref<16x640xf32, #tpu.memory_space<vmem>>, vector<16xf32>,
        %add3A_135 = arith.addf %add3A_128, %get3A_134 : vector<16xf32>
        %mul3A_136 = arith.constant 16 : i32
        %mul3A_137 = arith.muli %scan3A_53, %mul3A_136 : i32
        %get3A_138 = arith.constant 12 : i32
        %get3A_139 = arith.index_cast %get3A_138 : i32 to index
        %get3A_140 = arith.index_cast %mul3A_137 : i32 to index
        %get3A_141 = tpu.vector_load %arg10[%get3A_139, %get3A_140] {strides = array<i32>} : memref<16x640xf32, #tpu.memory_space<vmem>>, vector<16xf32>,
        %add3A_142 = arith.addf %add3A_135, %get3A_141 : vector<16xf32>
        %mul3A_143 = arith.constant 16 : i32
        %mul3A_144 = arith.muli %scan3A_53, %mul3A_143 : i32
        %get3A_145 = arith.constant 13 : i32
        %get3A_146 = arith.index_cast %get3A_145 : i32 to index
        %get3A_147 = arith.index_cast %mul3A_144 : i32 to index
        %get3A_148 = tpu.vector_load %arg10[%get3A_146, %get3A_147] {strides = array<i32>} : memref<16x640xf32, #tpu.memory_space<vmem>>, vector<16xf32>,
        %add3A_149 = arith.addf %add3A_142, %get3A_148 : vector<16xf32>
        %mul3A_150 = arith.constant 16 : i32
        %mul3A_151 = arith.muli %scan3A_53, %mul3A_150 : i32
        %get3A_152 = arith.constant 14 : i32
        %get3A_153 = arith.index_cast %get3A_152 : i32 to index
        %get3A_154 = arith.index_cast %mul3A_151 : i32 to index
        %get3A_155 = tpu.vector_load %arg10[%get3A_153, %get3A_154] {strides = array<i32>} : memref<16x640xf32, #tpu.memory_space<vmem>>, vector<16xf32>,
        %add3A_156 = arith.addf %add3A_149, %get3A_155 : vector<16xf32>
        %mul3A_157 = arith.constant 16 : i32
        %mul3A_158 = arith.muli %scan3A_53, %mul3A_157 : i32
        %get3A_159 = arith.constant 15 : i32
        %get3A_160 = arith.index_cast %get3A_159 : i32 to index
        %get3A_161 = arith.index_cast %mul3A_158 : i32 to index
        %get3A_162 = tpu.vector_load %arg10[%get3A_160, %get3A_161] {strides = array<i32>} : memref<16x640xf32, #tpu.memory_space<vmem>>, vector<16xf32>,
        %add3A_163 = arith.addf %add3A_156, %get3A_162 : vector<16xf32>
        %add3A_164 = arith.constant 1.000000e+00 : f32
        %add3A_165 = vector.broadcast %add3A_164 : f32 to vector<16xf32>
        %add3A_166 = arith.addf %add3A_163, %add3A_165 : vector<16xf32>
        %bitcast3A = vector.bitcast %add3A_166 : vector<16xf32> to vector<16xi32>
        %shift_right_logical3A = arith.constant 1 : i32
        %shift_right_logical3A_167 = vector.broadcast %shift_right_logical3A : i32 to vector<16xi32>
        %shift_right_logical3A_168 = arith.shrui %bitcast3A, %shift_right_logical3A_167 : vector<16xi32>
        %sub3A = arith.constant 1597463007 : i32
        %sub3A_169 = vector.broadcast %sub3A : i32 to vector<16xi32>
        %sub3A_170 = arith.subi %sub3A_169, %shift_right_logical3A_168 : vector<16xi32>
        %bitcast3A_171 = vector.bitcast %sub3A_170 : vector<16xi32> to vector<16xf32>
        %mul3A_172 = arith.constant 5.000000e-01 : f32
        %mul3A_173 = vector.broadcast %mul3A_172 : f32 to vector<16xf32>
        %mul3A_174 = arith.mulf %mul3A_173, %add3A_166 : vector<16xf32>
        %mul3A_175 = arith.mulf %mul3A_174, %bitcast3A_171 : vector<16xf32>
        %mul3A_176 = arith.mulf %mul3A_175, %bitcast3A_171 : vector<16xf32>
        %sub3A_177 = arith.constant 1.500000e+00 : f32
        %sub3A_178 = vector.broadcast %sub3A_177 : f32 to vector<16xf32>
        %sub3A_179 = arith.subf %sub3A_178, %mul3A_176 : vector<16xf32>
        %mul3A_180 = arith.mulf %bitcast3A_171, %sub3A_179 : vector<16xf32>
        %mul3A_181 = arith.constant 5.000000e-01 : f32
        %mul3A_182 = vector.broadcast %mul3A_181 : f32 to vector<16xf32>
        %mul3A_183 = arith.mulf %mul3A_182, %add3A_166 : vector<16xf32>
        %mul3A_184 = arith.mulf %mul3A_183, %mul3A_180 : vector<16xf32>
        %mul3A_185 = arith.mulf %mul3A_184, %mul3A_180 : vector<16xf32>
        %sub3A_186 = arith.constant 1.500000e+00 : f32
        %sub3A_187 = vector.broadcast %sub3A_186 : f32 to vector<16xf32>
        %sub3A_188 = arith.subf %sub3A_187, %mul3A_185 : vector<16xf32>
        %mul3A_189 = arith.mulf %mul3A_180, %sub3A_188 : vector<16xf32>
        %mul3A_190 = arith.constant 5.000000e-01 : f32
        %mul3A_191 = vector.broadcast %mul3A_190 : f32 to vector<16xf32>
        %mul3A_192 = arith.mulf %mul3A_191, %add3A_166 : vector<16xf32>
        %mul3A_193 = arith.mulf %mul3A_192, %mul3A_189 : vector<16xf32>
        %mul3A_194 = arith.mulf %mul3A_193, %mul3A_189 : vector<16xf32>
        %sub3A_195 = arith.constant 1.500000e+00 : f32
        %sub3A_196 = vector.broadcast %sub3A_195 : f32 to vector<16xf32>
        %sub3A_197 = arith.subf %sub3A_196, %mul3A_194 : vector<16xf32>
        %mul3A_198 = arith.mulf %mul3A_189, %sub3A_197 : vector<16xf32>
        %mul3A_199 = arith.constant 16 : i32
        %mul3A_200 = arith.muli %scan3A_53, %mul3A_199 : i32
        %swap3A = arith.index_cast %mul3A_200 : i32 to index
        %swap3A_201 = tpu.vector_load %arg11[%swap3A] {strides = array<i32>} : memref<640xf32, #tpu.memory_space<vmem>>, vector<16xf32>,
        tpu.vector_store %arg11[%swap3A], %mul3A_198 {strides = array<i32>} : memref<640xf32, #tpu.memory_space<vmem>>, vector<16xf32>,
        %scan3A_202 = arith.constant 0 : i32
        scf.yield %scan3A_202 : i32
      }
      %scan3A_27 = arith.constant 40 : i32
      "tpu.region"() ({
        %run_scoped3A = tpu.sem_alloc : memref<!tpu.dma_semaphore, #tpu.memory_space<semaphore_mem>>
        %dma_start3A = tpu.memref_slice %arg4[%mul3A_20] : memref<10240xf32, #tpu.memory_space<hbm>> -> memref<640xf32, #tpu.memory_space<hbm>>
        %dma_start3A_53 = tpu.memref_slice %arg4[%mul3A_20] : memref<10240xf32, #tpu.memory_space<hbm>> -> memref<640xf32, #tpu.memory_space<hbm>>
        tpu.enqueue_dma source(%arg11 : memref<640xf32, #tpu.memory_space<vmem>>) target(%dma_start3A_53 : memref<640xf32, #tpu.memory_space<hbm>>) target_semaphore(%run_scoped3A : memref<!tpu.dma_semaphore, #tpu.memory_space<semaphore_mem>>)
        %dma_wait3A = tpu.memref_slice %arg4[%mul3A_20] : memref<10240xf32, #tpu.memory_space<hbm>> -> memref<640xf32, #tpu.memory_space<hbm>>
        %dma_wait3A_54 = tpu.memref_slice %arg4[%mul3A_20] : memref<10240xf32, #tpu.memory_space<hbm>> -> memref<640xf32, #tpu.memory_space<hbm>>
        tpu.wait_dma2 semaphore(%run_scoped3A : memref<!tpu.dma_semaphore, #tpu.memory_space<semaphore_mem>>) src(%arg11 : memref<640xf32, #tpu.memory_space<vmem>>) dst(%dma_wait3A_54 : memref<640xf32, #tpu.memory_space<hbm>>)
        tpu.yield
      }) : () -> ()
      "tpu.region"() ({
        %run_scoped3A = tpu.sem_alloc : memref<!tpu.dma_semaphore, #tpu.memory_space<semaphore_mem>>
        %dma_start3A = tpu.memref_slice %arg13[%mul3A_20] : memref<10240xf32, #tpu.memory_space<vmem_shared>> -> memref<640xf32, #tpu.memory_space<vmem_shared>>
        %dma_start3A_53 = tpu.memref_slice %arg13[%mul3A_20] : memref<10240xf32, #tpu.memory_space<vmem_shared>> -> memref<640xf32, #tpu.memory_space<vmem_shared>>
        tpu.enqueue_dma source(%arg11 : memref<640xf32, #tpu.memory_space<vmem>>) target(%dma_start3A_53 : memref<640xf32, #tpu.memory_space<vmem_shared>>) target_semaphore(%run_scoped3A : memref<!tpu.dma_semaphore, #tpu.memory_space<semaphore_mem>>)
        %dma_wait3A = tpu.memref_slice %arg13[%mul3A_20] : memref<10240xf32, #tpu.memory_space<vmem_shared>> -> memref<640xf32, #tpu.memory_space<vmem_shared>>
        %dma_wait3A_54 = tpu.memref_slice %arg13[%mul3A_20] : memref<10240xf32, #tpu.memory_space<vmem_shared>> -> memref<640xf32, #tpu.memory_space<vmem_shared>>
        tpu.wait_dma2 semaphore(%run_scoped3A : memref<!tpu.dma_semaphore, #tpu.memory_space<semaphore_mem>>) src(%arg11 : memref<640xf32, #tpu.memory_space<vmem>>) dst(%dma_wait3A_54 : memref<640xf32, #tpu.memory_space<vmem_shared>>)
        tpu.yield
      }) : () -> ()
      %barrier3A_28 = arith.constant 0 : index
      tpu.barrier barrier_id(%barrier3A_28)
      "tpu.region"() ({
        %run_scoped3A = tpu.sem_alloc : memref<!tpu.dma_semaphore, #tpu.memory_space<semaphore_mem>>
        tpu.enqueue_dma source(%arg13 : memref<10240xf32, #tpu.memory_space<vmem_shared>>) target(%arg9 : memref<10240xf32, #tpu.memory_space<vmem>>) target_semaphore(%run_scoped3A : memref<!tpu.dma_semaphore, #tpu.memory_space<semaphore_mem>>)
        tpu.wait_dma2 semaphore(%run_scoped3A : memref<!tpu.dma_semaphore, #tpu.memory_space<semaphore_mem>>) src(%arg13 : memref<10240xf32, #tpu.memory_space<vmem_shared>>) dst(%arg9 : memref<10240xf32, #tpu.memory_space<vmem>>)
        tpu.yield
      }) : () -> ()
      %mul3A_29 = arith.constant 10000 : i32
      %mul3A_30 = arith.muli %arg1, %mul3A_29 : i32
      "tpu.region"() ({
        %run_scoped3A = tpu.sem_alloc : memref<!tpu.dma_semaphore, #tpu.memory_space<semaphore_mem>>
        %dma_start3A = tpu.memref_slice %arg2[%mul3A_30] : memref<160000xi32, #tpu.memory_space<hbm>> -> memref<10000xi32, #tpu.memory_space<hbm>>
        %dma_start3A_53 = tpu.memref_slice %arg2[%mul3A_30] : memref<160000xi32, #tpu.memory_space<hbm>> -> memref<10000xi32, #tpu.memory_space<hbm>>
        tpu.enqueue_dma source(%dma_start3A_53 : memref<10000xi32, #tpu.memory_space<hbm>>) target(%arg8 : memref<10000xi32, #tpu.memory_space<vmem>>) target_semaphore(%run_scoped3A : memref<!tpu.dma_semaphore, #tpu.memory_space<semaphore_mem>>)
        %dma_wait3A = tpu.memref_slice %arg2[%mul3A_30] : memref<160000xi32, #tpu.memory_space<hbm>> -> memref<10000xi32, #tpu.memory_space<hbm>>
        %dma_wait3A_54 = tpu.memref_slice %arg2[%mul3A_30] : memref<160000xi32, #tpu.memory_space<hbm>> -> memref<10000xi32, #tpu.memory_space<hbm>>
        tpu.wait_dma2 semaphore(%run_scoped3A : memref<!tpu.dma_semaphore, #tpu.memory_space<semaphore_mem>>) src(%dma_wait3A_54 : memref<10000xi32, #tpu.memory_space<hbm>>) dst(%arg8 : memref<10000xi32, #tpu.memory_space<vmem>>)
        tpu.yield
      }) : () -> ()
      %scan3A_31 = arith.constant 0 : i32
      %scan3A_32 = arith.constant 0 : i32
      %scan3A_33 = arith.constant 640 : i32
      %scan3A_34 = arith.addi %scan3A_32, %scan3A_33 : i32
      %scan3A_35 = arith.constant 1 : i32
      %scan3A_36 = scf.for %scan3A_53 = %scan3A_32 to %scan3A_34 step %scan3A_35 iter_args(%scan3A_54 = %scan3A_31) -> (i32)  : i32 {
        %mul3A_55 = arith.constant 16 : i32
        %mul3A_56 = arith.muli %scan3A_53, %mul3A_55 : i32
        %swap3A = arith.index_cast %mul3A_56 : i32 to index
        %swap3A_57 = tpu.vector_load %arg6[%swap3A] {strides = array<i32>} : memref<10240xf32, #tpu.memory_space<vmem>>, vector<16xf32>,
        tpu.vector_store %arg6[%swap3A], %broadcast_in_dim3A_2 {strides = array<i32>} : memref<10240xf32, #tpu.memory_space<vmem>>, vector<16xf32>,
        %scan3A_58 = arith.constant 0 : i32
        scf.yield %scan3A_58 : i32
      }
      %scan3A_37 = arith.constant 640 : i32
      %scan3A_38 = arith.constant 0 : i32
      %scan3A_39 = arith.constant 0 : i32
      %scan3A_40 = arith.constant 625 : i32
      %scan3A_41 = arith.addi %scan3A_39, %scan3A_40 : i32
      %scan3A_42 = arith.constant 1 : i32
      %scan3A_43 = scf.for %scan3A_53 = %scan3A_39 to %scan3A_41 step %scan3A_42 iter_args(%scan3A_54 = %scan3A_38) -> (i32)  : i32 {
        %mul3A_55 = arith.constant 16 : i32
        %mul3A_56 = arith.muli %scan3A_53, %mul3A_55 : i32
        %get3A = arith.index_cast %mul3A_56 : i32 to index
        %get3A_57 = tpu.vector_load %arg7[%get3A] {strides = array<i32>} : memref<10000xi32, #tpu.memory_space<vmem>>, vector<16xi32>,
        %mul3A_58 = arith.constant 16 : i32
        %mul3A_59 = arith.muli %scan3A_53, %mul3A_58 : i32
        %get3A_60 = arith.index_cast %mul3A_59 : i32 to index
        %get3A_61 = tpu.vector_load %arg8[%get3A_60] {strides = array<i32>} : memref<10000xi32, #tpu.memory_space<vmem>>, vector<16xi32>,
        %gather3A = tpu.vector_load_idx %arg9[%get3A_57] : memref<10240xf32, #tpu.memory_space<vmem>>[vector<16xi32>], vector<16xf32>,
        tpu.vector_store_idx %arg6[%get3A_61], %gather3A {add = true} : memref<10240xf32, #tpu.memory_space<vmem>>[vector<16xi32>], vector<16xf32>,
        %scan3A_62 = arith.constant 0 : i32
        scf.yield %scan3A_62 : i32
      }
      %scan3A_44 = arith.constant 625 : i32
      "tpu.region"() ({
        %run_scoped3A = tpu.sem_alloc : memref<!tpu.dma_semaphore, #tpu.memory_space<semaphore_mem>>
        %dma_start3A = arith.constant 0 : i32
        %dma_start3A_53 = tpu.memref_slice %arg12[%arg1, %dma_start3A] : memref<16x10240xf32, #tpu.memory_space<vmem_shared>> -> memref<1x10240xf32, #tpu.memory_space<vmem_shared>>
        %dma_start3A_54 = tpu.memref_squeeze %dma_start3A_53 : memref<1x10240xf32, #tpu.memory_space<vmem_shared>> -> memref<10240xf32, #tpu.memory_space<vmem_shared>>
        %dma_start3A_55 = arith.constant 0 : i32
        %dma_start3A_56 = tpu.memref_slice %arg12[%arg1, %dma_start3A_55] : memref<16x10240xf32, #tpu.memory_space<vmem_shared>> -> memref<1x10240xf32, #tpu.memory_space<vmem_shared>>
        %dma_start3A_57 = tpu.memref_squeeze %dma_start3A_56 : memref<1x10240xf32, #tpu.memory_space<vmem_shared>> -> memref<10240xf32, #tpu.memory_space<vmem_shared>>
        tpu.enqueue_dma source(%arg6 : memref<10240xf32, #tpu.memory_space<vmem>>) target(%dma_start3A_57 : memref<10240xf32, #tpu.memory_space<vmem_shared>>) target_semaphore(%run_scoped3A : memref<!tpu.dma_semaphore, #tpu.memory_space<semaphore_mem>>)
        %dma_wait3A = arith.constant 0 : i32
        %dma_wait3A_58 = tpu.memref_slice %arg12[%arg1, %dma_wait3A] : memref<16x10240xf32, #tpu.memory_space<vmem_shared>> -> memref<1x10240xf32, #tpu.memory_space<vmem_shared>>
        %dma_wait3A_59 = tpu.memref_squeeze %dma_wait3A_58 : memref<1x10240xf32, #tpu.memory_space<vmem_shared>> -> memref<10240xf32, #tpu.memory_space<vmem_shared>>
        %dma_wait3A_60 = arith.constant 0 : i32
        %dma_wait3A_61 = tpu.memref_slice %arg12[%arg1, %dma_wait3A_60] : memref<16x10240xf32, #tpu.memory_space<vmem_shared>> -> memref<1x10240xf32, #tpu.memory_space<vmem_shared>>
        %dma_wait3A_62 = tpu.memref_squeeze %dma_wait3A_61 : memref<1x10240xf32, #tpu.memory_space<vmem_shared>> -> memref<10240xf32, #tpu.memory_space<vmem_shared>>
        tpu.wait_dma2 semaphore(%run_scoped3A : memref<!tpu.dma_semaphore, #tpu.memory_space<semaphore_mem>>) src(%arg6 : memref<10240xf32, #tpu.memory_space<vmem>>) dst(%dma_wait3A_62 : memref<10240xf32, #tpu.memory_space<vmem_shared>>)
        tpu.yield
      }) : () -> ()
      %barrier3A_45 = arith.constant 0 : index
      tpu.barrier barrier_id(%barrier3A_45)
      "tpu.region"() ({
        %run_scoped3A = tpu.sem_alloc : memref<!tpu.dma_semaphore, #tpu.memory_space<semaphore_mem>>
        %dma_start3A = arith.constant 0 : i32
        %dma_start3A_53 = tpu.memref_slice %arg12[%dma_start3A, %mul3A_20] : memref<16x10240xf32, #tpu.memory_space<vmem_shared>> -> memref<16x640xf32, #tpu.memory_space<vmem_shared>>
        %dma_start3A_54 = arith.constant 0 : i32
        %dma_start3A_55 = tpu.memref_slice %arg12[%dma_start3A_54, %mul3A_20] : memref<16x10240xf32, #tpu.memory_space<vmem_shared>> -> memref<16x640xf32, #tpu.memory_space<vmem_shared>>
        tpu.enqueue_dma source(%dma_start3A_55 : memref<16x640xf32, #tpu.memory_space<vmem_shared>>) target(%arg10 : memref<16x640xf32, #tpu.memory_space<vmem>>) target_semaphore(%run_scoped3A : memref<!tpu.dma_semaphore, #tpu.memory_space<semaphore_mem>>)
        %dma_wait3A = arith.constant 0 : i32
        %dma_wait3A_56 = tpu.memref_slice %arg12[%dma_wait3A, %mul3A_20] : memref<16x10240xf32, #tpu.memory_space<vmem_shared>> -> memref<16x640xf32, #tpu.memory_space<vmem_shared>>
        %dma_wait3A_57 = arith.constant 0 : i32
        %dma_wait3A_58 = tpu.memref_slice %arg12[%dma_wait3A_57, %mul3A_20] : memref<16x10240xf32, #tpu.memory_space<vmem_shared>> -> memref<16x640xf32, #tpu.memory_space<vmem_shared>>
        tpu.wait_dma2 semaphore(%run_scoped3A : memref<!tpu.dma_semaphore, #tpu.memory_space<semaphore_mem>>) src(%dma_wait3A_58 : memref<16x640xf32, #tpu.memory_space<vmem_shared>>) dst(%arg10 : memref<16x640xf32, #tpu.memory_space<vmem>>)
        tpu.yield
      }) : () -> ()
      %scan3A_46 = arith.constant 0 : i32
      %scan3A_47 = arith.constant 0 : i32
      %scan3A_48 = arith.constant 40 : i32
      %scan3A_49 = arith.addi %scan3A_47, %scan3A_48 : i32
      %scan3A_50 = arith.constant 1 : i32
      %scan3A_51 = scf.for %scan3A_53 = %scan3A_47 to %scan3A_49 step %scan3A_50 iter_args(%scan3A_54 = %scan3A_46) -> (i32)  : i32 {
        %mul3A_55 = arith.constant 16 : i32
        %mul3A_56 = arith.muli %scan3A_53, %mul3A_55 : i32
        %get3A = arith.constant 0 : i32
        %get3A_57 = arith.index_cast %get3A : i32 to index
        %get3A_58 = arith.index_cast %mul3A_56 : i32 to index
        %get3A_59 = tpu.vector_load %arg10[%get3A_57, %get3A_58] {strides = array<i32>} : memref<16x640xf32, #tpu.memory_space<vmem>>, vector<16xf32>,
        %mul3A_60 = arith.constant 16 : i32
        %mul3A_61 = arith.muli %scan3A_53, %mul3A_60 : i32
        %get3A_62 = arith.constant 1 : i32
        %get3A_63 = arith.index_cast %get3A_62 : i32 to index
        %get3A_64 = arith.index_cast %mul3A_61 : i32 to index
        %get3A_65 = tpu.vector_load %arg10[%get3A_63, %get3A_64] {strides = array<i32>} : memref<16x640xf32, #tpu.memory_space<vmem>>, vector<16xf32>,
        %add3A = arith.addf %get3A_59, %get3A_65 : vector<16xf32>
        %mul3A_66 = arith.constant 16 : i32
        %mul3A_67 = arith.muli %scan3A_53, %mul3A_66 : i32
        %get3A_68 = arith.constant 2 : i32
        %get3A_69 = arith.index_cast %get3A_68 : i32 to index
        %get3A_70 = arith.index_cast %mul3A_67 : i32 to index
        %get3A_71 = tpu.vector_load %arg10[%get3A_69, %get3A_70] {strides = array<i32>} : memref<16x640xf32, #tpu.memory_space<vmem>>, vector<16xf32>,
        %add3A_72 = arith.addf %add3A, %get3A_71 : vector<16xf32>
        %mul3A_73 = arith.constant 16 : i32
        %mul3A_74 = arith.muli %scan3A_53, %mul3A_73 : i32
        %get3A_75 = arith.constant 3 : i32
        %get3A_76 = arith.index_cast %get3A_75 : i32 to index
        %get3A_77 = arith.index_cast %mul3A_74 : i32 to index
        %get3A_78 = tpu.vector_load %arg10[%get3A_76, %get3A_77] {strides = array<i32>} : memref<16x640xf32, #tpu.memory_space<vmem>>, vector<16xf32>,
        %add3A_79 = arith.addf %add3A_72, %get3A_78 : vector<16xf32>
        %mul3A_80 = arith.constant 16 : i32
        %mul3A_81 = arith.muli %scan3A_53, %mul3A_80 : i32
        %get3A_82 = arith.constant 4 : i32
        %get3A_83 = arith.index_cast %get3A_82 : i32 to index
        %get3A_84 = arith.index_cast %mul3A_81 : i32 to index
        %get3A_85 = tpu.vector_load %arg10[%get3A_83, %get3A_84] {strides = array<i32>} : memref<16x640xf32, #tpu.memory_space<vmem>>, vector<16xf32>,
        %add3A_86 = arith.addf %add3A_79, %get3A_85 : vector<16xf32>
        %mul3A_87 = arith.constant 16 : i32
        %mul3A_88 = arith.muli %scan3A_53, %mul3A_87 : i32
        %get3A_89 = arith.constant 5 : i32
        %get3A_90 = arith.index_cast %get3A_89 : i32 to index
        %get3A_91 = arith.index_cast %mul3A_88 : i32 to index
        %get3A_92 = tpu.vector_load %arg10[%get3A_90, %get3A_91] {strides = array<i32>} : memref<16x640xf32, #tpu.memory_space<vmem>>, vector<16xf32>,
        %add3A_93 = arith.addf %add3A_86, %get3A_92 : vector<16xf32>
        %mul3A_94 = arith.constant 16 : i32
        %mul3A_95 = arith.muli %scan3A_53, %mul3A_94 : i32
        %get3A_96 = arith.constant 6 : i32
        %get3A_97 = arith.index_cast %get3A_96 : i32 to index
        %get3A_98 = arith.index_cast %mul3A_95 : i32 to index
        %get3A_99 = tpu.vector_load %arg10[%get3A_97, %get3A_98] {strides = array<i32>} : memref<16x640xf32, #tpu.memory_space<vmem>>, vector<16xf32>,
        %add3A_100 = arith.addf %add3A_93, %get3A_99 : vector<16xf32>
        %mul3A_101 = arith.constant 16 : i32
        %mul3A_102 = arith.muli %scan3A_53, %mul3A_101 : i32
        %get3A_103 = arith.constant 7 : i32
        %get3A_104 = arith.index_cast %get3A_103 : i32 to index
        %get3A_105 = arith.index_cast %mul3A_102 : i32 to index
        %get3A_106 = tpu.vector_load %arg10[%get3A_104, %get3A_105] {strides = array<i32>} : memref<16x640xf32, #tpu.memory_space<vmem>>, vector<16xf32>,
        %add3A_107 = arith.addf %add3A_100, %get3A_106 : vector<16xf32>
        %mul3A_108 = arith.constant 16 : i32
        %mul3A_109 = arith.muli %scan3A_53, %mul3A_108 : i32
        %get3A_110 = arith.constant 8 : i32
        %get3A_111 = arith.index_cast %get3A_110 : i32 to index
        %get3A_112 = arith.index_cast %mul3A_109 : i32 to index
        %get3A_113 = tpu.vector_load %arg10[%get3A_111, %get3A_112] {strides = array<i32>} : memref<16x640xf32, #tpu.memory_space<vmem>>, vector<16xf32>,
        %add3A_114 = arith.addf %add3A_107, %get3A_113 : vector<16xf32>
        %mul3A_115 = arith.constant 16 : i32
        %mul3A_116 = arith.muli %scan3A_53, %mul3A_115 : i32
        %get3A_117 = arith.constant 9 : i32
        %get3A_118 = arith.index_cast %get3A_117 : i32 to index
        %get3A_119 = arith.index_cast %mul3A_116 : i32 to index
        %get3A_120 = tpu.vector_load %arg10[%get3A_118, %get3A_119] {strides = array<i32>} : memref<16x640xf32, #tpu.memory_space<vmem>>, vector<16xf32>,
        %add3A_121 = arith.addf %add3A_114, %get3A_120 : vector<16xf32>
        %mul3A_122 = arith.constant 16 : i32
        %mul3A_123 = arith.muli %scan3A_53, %mul3A_122 : i32
        %get3A_124 = arith.constant 10 : i32
        %get3A_125 = arith.index_cast %get3A_124 : i32 to index
        %get3A_126 = arith.index_cast %mul3A_123 : i32 to index
        %get3A_127 = tpu.vector_load %arg10[%get3A_125, %get3A_126] {strides = array<i32>} : memref<16x640xf32, #tpu.memory_space<vmem>>, vector<16xf32>,
        %add3A_128 = arith.addf %add3A_121, %get3A_127 : vector<16xf32>
        %mul3A_129 = arith.constant 16 : i32
        %mul3A_130 = arith.muli %scan3A_53, %mul3A_129 : i32
        %get3A_131 = arith.constant 11 : i32
        %get3A_132 = arith.index_cast %get3A_131 : i32 to index
        %get3A_133 = arith.index_cast %mul3A_130 : i32 to index
        %get3A_134 = tpu.vector_load %arg10[%get3A_132, %get3A_133] {strides = array<i32>} : memref<16x640xf32, #tpu.memory_space<vmem>>, vector<16xf32>,
        %add3A_135 = arith.addf %add3A_128, %get3A_134 : vector<16xf32>
        %mul3A_136 = arith.constant 16 : i32
        %mul3A_137 = arith.muli %scan3A_53, %mul3A_136 : i32
        %get3A_138 = arith.constant 12 : i32
        %get3A_139 = arith.index_cast %get3A_138 : i32 to index
        %get3A_140 = arith.index_cast %mul3A_137 : i32 to index
        %get3A_141 = tpu.vector_load %arg10[%get3A_139, %get3A_140] {strides = array<i32>} : memref<16x640xf32, #tpu.memory_space<vmem>>, vector<16xf32>,
        %add3A_142 = arith.addf %add3A_135, %get3A_141 : vector<16xf32>
        %mul3A_143 = arith.constant 16 : i32
        %mul3A_144 = arith.muli %scan3A_53, %mul3A_143 : i32
        %get3A_145 = arith.constant 13 : i32
        %get3A_146 = arith.index_cast %get3A_145 : i32 to index
        %get3A_147 = arith.index_cast %mul3A_144 : i32 to index
        %get3A_148 = tpu.vector_load %arg10[%get3A_146, %get3A_147] {strides = array<i32>} : memref<16x640xf32, #tpu.memory_space<vmem>>, vector<16xf32>,
        %add3A_149 = arith.addf %add3A_142, %get3A_148 : vector<16xf32>
        %mul3A_150 = arith.constant 16 : i32
        %mul3A_151 = arith.muli %scan3A_53, %mul3A_150 : i32
        %get3A_152 = arith.constant 14 : i32
        %get3A_153 = arith.index_cast %get3A_152 : i32 to index
        %get3A_154 = arith.index_cast %mul3A_151 : i32 to index
        %get3A_155 = tpu.vector_load %arg10[%get3A_153, %get3A_154] {strides = array<i32>} : memref<16x640xf32, #tpu.memory_space<vmem>>, vector<16xf32>,
        %add3A_156 = arith.addf %add3A_149, %get3A_155 : vector<16xf32>
        %mul3A_157 = arith.constant 16 : i32
        %mul3A_158 = arith.muli %scan3A_53, %mul3A_157 : i32
        %get3A_159 = arith.constant 15 : i32
        %get3A_160 = arith.index_cast %get3A_159 : i32 to index
        %get3A_161 = arith.index_cast %mul3A_158 : i32 to index
        %get3A_162 = tpu.vector_load %arg10[%get3A_160, %get3A_161] {strides = array<i32>} : memref<16x640xf32, #tpu.memory_space<vmem>>, vector<16xf32>,
        %add3A_163 = arith.addf %add3A_156, %get3A_162 : vector<16xf32>
        %mul3A_164 = arith.constant 16 : i32
        %mul3A_165 = arith.muli %scan3A_53, %mul3A_164 : i32
        %add3A_166 = arith.addi %mul3A_20, %mul3A_165 : i32
        %get3A_167 = arith.index_cast %add3A_166 : i32 to index
        %get3A_168 = tpu.vector_load %arg9[%get3A_167] {strides = array<i32>} : memref<10240xf32, #tpu.memory_space<vmem>>, vector<16xf32>,
        %add3A_169 = arith.addf %add3A_163, %get3A_168 : vector<16xf32>
        %mul3A_170 = arith.mulf %get3A_168, %add3A_169 : vector<16xf32>
        %mul3A_171 = arith.constant 16 : i32
        %mul3A_172 = arith.muli %scan3A_53, %mul3A_171 : i32
        %swap3A = arith.index_cast %mul3A_172 : i32 to index
        %swap3A_173 = tpu.vector_load %arg11[%swap3A] {strides = array<i32>} : memref<640xf32, #tpu.memory_space<vmem>>, vector<16xf32>,
        tpu.vector_store %arg11[%swap3A], %mul3A_170 {strides = array<i32>} : memref<640xf32, #tpu.memory_space<vmem>>, vector<16xf32>,
        %scan3A_174 = arith.constant 0 : i32
        scf.yield %scan3A_174 : i32
      }
      %scan3A_52 = arith.constant 40 : i32
      "tpu.region"() ({
        %run_scoped3A = tpu.sem_alloc : memref<!tpu.dma_semaphore, #tpu.memory_space<semaphore_mem>>
        %dma_start3A = tpu.memref_slice %arg5[%mul3A_20] : memref<10240xf32, #tpu.memory_space<hbm>> -> memref<640xf32, #tpu.memory_space<hbm>>
        %dma_start3A_53 = tpu.memref_slice %arg5[%mul3A_20] : memref<10240xf32, #tpu.memory_space<hbm>> -> memref<640xf32, #tpu.memory_space<hbm>>
        tpu.enqueue_dma source(%arg11 : memref<640xf32, #tpu.memory_space<vmem>>) target(%dma_start3A_53 : memref<640xf32, #tpu.memory_space<hbm>>) target_semaphore(%run_scoped3A : memref<!tpu.dma_semaphore, #tpu.memory_space<semaphore_mem>>)
        %dma_wait3A = tpu.memref_slice %arg5[%mul3A_20] : memref<10240xf32, #tpu.memory_space<hbm>> -> memref<640xf32, #tpu.memory_space<hbm>>
        %dma_wait3A_54 = tpu.memref_slice %arg5[%mul3A_20] : memref<10240xf32, #tpu.memory_space<hbm>> -> memref<640xf32, #tpu.memory_space<hbm>>
        tpu.wait_dma2 semaphore(%run_scoped3A : memref<!tpu.dma_semaphore, #tpu.memory_space<semaphore_mem>>) src(%arg11 : memref<640xf32, #tpu.memory_space<vmem>>) dst(%dma_wait3A_54 : memref<640xf32, #tpu.memory_space<hbm>>)
        tpu.yield
      }) : () -> ()
    } else {
    }
    return
  }
}

</mosaic_0001>

<sc_bundles>
// kernel: _sc_stats.3.cloned.1.call-start
scs
__scs_entry_jumppad:
0x0: {  	(pc) =	sbr.rel $0x88, $3  }
0x1: {  	(tag) =	ssettag $0x0;
	lr =	simm.s32 $0x1  }
0x2: {  	[smem:$0x3F9F] =	sst lr;
	_ =	strace $0xD0000000  }
0x3: {  	_ = 	snop  }
0x4: {  	_ = 	snop  }
0x5: {  	_ = 	snop  }
0x6: {  	_ = 	snop  }
0x7: {  	_ = 	snop  }
__scs_overlays_trampoline_lowered:
0x8: {  	[smem:$0x3FAE] =	sst s0  }
0x9: {  	[smem:$0x3FAF] =	sst s1  }
0xa: {  	[smem:$0x3FB0] =	sst s2  }
0xb: {  	[smem:$0x3FB1] =	sst s3  }
0xc: {  	[smem:$0x3FB2] =	sst s4  }
0xd: {  	[smem:$0x3FB3] =	sst s5  }
0xe: {  	[smem:$0x3FB4] =	sst s6  }
0xf: {  	[smem:$0x3FB5] =	sst s7  }
0x10: {  	[smem:$0x3FB6] =	sst s8  }
0x11: {  	[smem:$0x3FB7] =	sst s9;
	s0 =	simm.s32 @!p0 $0x0  }
0x12: {  	s1 =	sld [smem:$0x3F9D];
	s0 =	simm.s32 @p0 $0x1  }
0x13: {  	[smem:$0x3FB8] =	sst s0;
	s0 =	simm.s32 @!p1 $0x0  }
0x14: {  	s2 =	sld [smem:$0x3F9C];
	s0 =	simm.s32 @p1 $0x1  }
0x15: {  	[smem:$0x3FB9] =	sst s0;
	s0 =	simm.s32 @!p2 $0x0  }
0x16: {  	s3 =	sld [smem:$0x3FDB];
	s0 =	simm.s32 @p2 $0x1  }
0x17: {  	s4 =	simm.s32 $0x1BF5;
	[smem:$0x3FBB] =	sst s0  }
0x18: {  	s0 =	sld [smem:$0x3F9E];
	_ =	swait.ge [sflag:s4], $0x0  }
0x19: {  	s7 =	sld [smem:$0x3F9F]  }
0x1a: {  	s8 =	sadd.s32 $0xFFFFE003, lr  }
0x1b: {  	s9 =	sadd.s32 $0xFFFFFEF7, lr;
	s5 =	simm.s32 $0xFFFFFFFF;
	p2 =	slt.u32 s8, $0xFFFFF086  }
0x1c: {  	p1 =	slt.u32 s9, $0xF7A;
	s5 =	simm.s32 @!p2 $0x0  }
0x1d: {  	s5 =	simm.s32 @p1 $0x1;
	p0 =	seq.s32 s7, s2  }
0x1e: {  	s7 =	smul.u32 @!p0 $0xF7A, s2;
	p2 =	seq.s32 @!p0 s5, $0x0  }
0x1f: {  	s9 =	smul.u32 $0xF7A, s1;
	s8 =	simm.s32 @!p0 $0x1BF5;
	p2 =	por !p2, p0  }
0x20: {  	[sflag:s8] =	ssyncset.s32 @!p0 $0xFFFFF086;
	s6 =	sadd.s32 @!p0 s3, s7;
	s7 =	simm.s32 @!p0 $0x108  }
0x21: {  	s3 =	sadd.s32 s3, s9;
	s6 =	sadd.s32 @!p0 $0x88, s6;
	s7 =	simm.s32 @p2 $0x1082  }
0x22: {  	[simem:s7], [sflag:s8] =	dma.local @!p0 [hbm:s6], $0xF7A  }
0x23: {  	s9 =	sor.u32 $0xD0000000, s2;
	s6 =	simm.s32 $0x108;
	_ =	swait.ge @!p0 [sflag:s8], $0x0  }
0x24: {  	s3 =	sadd.s32 $0x88, s3;
	s6 =	simm.s32 @!p1 $0x1082;
	[sflag:s4] =	ssyncset.s32 $0xFFFFF086  }
0x25: {  	[simem:s6], [sflag:s4] =	dma.local [hbm:s3], $0xF7A  }
0x26: {  	[smem:$0x3F9F] =	sst s1;
	(tag) =	ssettag s2;
	_ =	strace s9  }
0x27: {  	s1 =	sld [smem:$0x3FAF]  }
0x28: {  	s2 =	sld [smem:$0x3FB0]  }
0x29: {  	s4 =	sld [smem:$0x3FB2]  }
0x2a: {  	p0 =	seq.s32 s5, $0x0;
	s5 =	sld [smem:$0x3FB3]  }
0x2b: {  	s6 =	sld [smem:$0x3FB4]  }
0x2c: {  	s7 =	sld [smem:$0x3FB5]  }
0x2d: {  	s3 =	simm.s32 $0x108;
	s8 =	sld [smem:$0x3FB6]  }
0x2e: {  	s3 =	simm.s32 @!p0 $0x1082;
	s9 =	sld [smem:$0x3FB7]  }
0x2f: {  	lr =	sadd.s32 s0, s3;
	s0 =	sld [smem:$0x3FAE]  }
0x30: {  	s3 =	sld [smem:$0x3FB1]  }
0x31: {  	[smem:$0x3FBA] =	sst s10  }
0x32: {  	s10 =	sld [smem:$0x3FB8];
	_ =	sdelay $0x3  }
0x33: {  	p0 =	seq.s32 s10, $0x1;
	s10 =	sld [smem:$0x3FBA];
	_ =	sdelay $0x3  }
0x34: {  	[smem:$0x3FBA] =	sst s10  }
0x35: {  	s10 =	sld [smem:$0x3FB9];
	_ =	sdelay $0x3  }
0x36: {  	p1 =	seq.s32 s10, $0x1;
	s10 =	sld [smem:$0x3FBA];
	_ =	sdelay $0x3  }
0x37: {  	[smem:$0x3FBA] =	sst s10  }
0x38: {  	s10 =	sld [smem:$0x3FBB]  }
0x39: {  	_ = 	snop;
	(pc) =	sbr.ind lr, $3  }
0x3a: {  	_ = 	snop  }
0x3b: {  	_ = 	snop  }
0x3c: {  	p2 =	seq.s32 s10, $0x1;
	s10 =	sld [smem:$0x3FBA]  }
0x3d: {  	_ =	shalt  }
0x3e: {  	_ =	shalt  }
0x3f: {  	_ =	shalt  }
0x40: {  	_ =	shalt  }
0x41: {  	_ =	shalt  }
0x42: {  	_ =	shalt  }
0x43: {  	_ =	shalt  }
0x44: {  	_ =	shalt  }
0x45: {  	_ =	shalt  }
0x46: {  	_ =	shalt  }
0x47: {  	_ =	shalt  }
0x48: {  	_ =	shalt  }
0x49: {  	_ =	shalt  }
0x4a: {  	_ =	shalt  }
0x4b: {  	_ =	shalt  }
0x4c: {  	_ =	shalt  }
0x4d: {  	_ =	shalt  }
0x4e: {  	_ =	shalt  }
0x4f: {  	_ =	shalt  }
0x50: {  	_ =	shalt  }
0x51: {  	_ =	shalt  }
0x52: {  	_ =	shalt  }
0x53: {  	_ =	shalt  }
0x54: {  	_ =	shalt  }
0x55: {  	_ =	shalt  }
0x56: {  	_ =	shalt  }
0x57: {  	_ =	shalt  }
0x58: {  	_ =	shalt  }
0x59: {  	_ =	shalt  }
0x5a: {  	_ =	shalt  }
0x5b: {  	_ =	shalt  }
0x5c: {  	_ =	shalt  }
0x5d: {  	_ =	shalt  }
0x5e: {  	_ =	shalt  }
0x5f: {  	_ =	shalt  }
0x60: {  	_ =	shalt  }
0x61: {  	_ =	shalt  }
0x62: {  	_ =	shalt  }
0x63: {  	_ =	shalt  }
0x64: {  	_ =	shalt  }
0x65: {  	_ =	shalt  }
0x66: {  	_ =	shalt  }
0x67: {  	_ =	shalt  }
0x68: {  	_ =	shalt  }
0x69: {  	_ =	shalt  }
0x6a: {  	_ =	shalt  }
0x6b: {  	_ =	shalt  }
0x6c: {  	_ =	shalt  }
0x6d: {  	_ =	shalt  }
0x6e: {  	_ =	shalt  }
0x6f: {  	_ =	shalt  }
0x70: {  	_ =	shalt  }
0x71: {  	_ =	shalt  }
0x72: {  	_ =	shalt  }
0x73: {  	_ =	shalt  }
0x74: {  	_ =	shalt  }
0x75: {  	_ =	shalt  }
0x76: {  	_ =	shalt  }
0x77: {  	_ =	shalt  }
0x78: {  	_ =	shalt  }
0x79: {  	_ =	shalt  }
0x7a: {  	_ =	shalt  }
0x7b: {  	_ =	shalt  }
0x7c: {  	_ =	shalt  }
0x7d: {  	_ =	shalt  }
0x7e: {  	_ =	shalt  }
0x7f: {  	_ =	shalt  }
0x80: {  	_ =	shalt  }
0x81: {  	_ =	shalt  }
0x82: {  	_ =	shalt  }
0x83: {  	_ =	shalt  }
0x84: {  	_ =	shalt  }
0x85: {  	_ =	shalt  }
0x86: {  	_ =	shalt  }
0x87: {  	_ =	shalt  }
.Lfunc_end0:
.L_simem_size_0:
called_computation_lowered:
.L_overlay_start_0:
0x88: {  	s2 =	sld [smem:$0x3FD9]  }
0x89: {  	s3 =	sld [smem:$0x3FFE];
	_ =	sdelay $0x1  }
0x8a: {  	s1 =	srdreg.scid  }
0x8b: {  	s0 =	sand.u32 $0x1, s1  }
0x8c: {  	s15 =	sshll.u32 s0, $0xA;
	s2 =	sadd.s32 s3, s2  }
0x8d: {  	s2 =	sadd.s32 s2, s15  }
0x8e: {  	[smem:$0x3FC6] =	sst s2  }
0x8f: {  	_ = 	snop  }
0x90: {  	s2 =	sld [smem:$0x3FD0];
	_ =	sdelay $0x1  }
0x91: {  	s16 =	sld [smem:$0x3FC9]  }
0x92: {  	s5 =	simm.s32 $0xA;
	s6 =	simm.s32 $0x10;
	s4 =	sld [smem:$0x3FC8]  }
0x93: {  	[smem:s6], [sflag:s5] =	dma.local [hbm:s2], $0x1  }
0x94: {  	_ =	swait.eq [sflag:s5], $0x1  }
0x95: {  	[sflag:s5] =	ssyncset.done $0x0  }
0x96: {  	s17 =	sld [smem:$0x10];
	[sflag:s5] =	ssyncadd.s32 $0xFFFFFFFF  }
0x97: {  	s18 =	sld [smem:$0x11];
	(tm) =	ssettm $0x1  }
0x98: {  	s19 =	sld [smem:$0x3FFB];
	_ =	sdelay $0x3  }
0x99: {  	_ =	strace s19  }
0x9a: {  	s6 =	sld [smem:$0x3FFC];
	_ =	sdelay $0x3  }
0x9b: {  	_ =	strace s6  }
0x9c: {  	s6 =	sld [smem:$0x3FFD];
	_ =	sdelay $0x3  }
0x9d: {  	_ =	strace s6  }
0x9e: {  	_ =	strace $0x8FFFFFFF  }
0x9f: {  	s20 =	sld [smem:$0x3FDB];
	_ =	sdelay $0x1  }
0xa0: {  	s7 =	simm.s32 $_scs_section_size  }
0xa1: {  	s8 =	simm.s32 $_size__tile_overlayer_lowered;
	s9 =	simm.s32 $_tile_overlayer_lowered  }
0xa2: {  	s23 =	simm.s32 $0x1BFF;
	s22 =	sshll.u32 s9, $0x1;
	s6 =	sadd.s32 s7, s20  }
0xa3: {  	s10 =	simm.s32 $0x0;
	s21 =	sshll.u32 s8, $0x1;
	s8 =	sadd.s32 s22, s6  }
0xa4: {  	[timem:s10], [sflag:s23] =	dma.local [hbm:s8], s21  }
0xa5: {  	_ =	swait.ge [sflag:s23], s21  }
0xa6: {  	s7 =	ssub.s32 $0x0, s21;
	[sflag:s23] =	ssyncset.done $0x0  }
0xa7: {  	[sflag:s23] =	ssyncadd.s32 s7;
	_ =	sdelay $0x1  }
0xa8: {  	s24 =	simm.s32 $0x1B8B  }
0xa9: {  	_ =	swait.ge [sflag:s24], $0x1  }
0xaa: {  	[sflag:s24] =	ssyncset.done $0x0  }
0xab: {  	s25 =	simm.s32 $0x1B8E;
	[sflag:s24] =	ssyncadd.s32 $0xFFFFFFFF  }
0xac: {  	s26 =	simm.s32 $execute0_lowered;
	[smem:$0x3FD2] =	sst s25  }
0xad: {  	s7 =	sshll.u32 s26, $0x1;
	_ =	strace $0x80000046;
	[dreg:$0x1] =	wrdreg $0xFFFFFFFF  }
0xae: {  	s28 =	simm.s32 $_size_execute0_lowered;
	s6 =	sadd.s32 s6, s7;
	[dreg:$0x0] =	wrdreg $0x0  }
0xaf: {  	s7 =	sshll.u32 s28, $0x1;
	[dreg:$0x2] =	wrdreg s6  }
0xb0: {  	[dreg:$0x3] =	wrdreg s7  }
0xb1: {  	[dreg:$0x4] =	wrdreg $0xC0  }
0xb2: {  	_ =	task [dreg:s10], $0x5FFFF  }
0xb3: {  	[dreg:$0x1] =	wrdreg $0xFFFFFFFF  }
0xb4: {  	[dreg:$0x0] =	wrdreg $0x60  }
0xb5: {  	[dreg:$0x2] =	wrdreg s16  }
0xb6: {  	[dreg:$0x3] =	wrdreg s4  }
0xb7: {  	[dreg:$0x4] =	wrdreg s17  }
0xb8: {  	[dreg:$0x5] =	wrdreg s18  }
0xb9: {  	[dreg:$0x6] =	wrdreg $0xC8A00  }
0xba: {  	[dreg:$0x7] =	wrdreg $0xF0A00  }
0xbb: {  	[dreg:$0x8] =	wrdreg $0x9  }
0xbc: {  	_ =	task.clear_ibuf [dreg:s10], $0x9FFFF;
	_ =	strace $0x90000046  }
0xbd: {  	s29 =	simm.s32 $0x9;
	_ =	strace $0x80000048  }
0xbe: {  	_ =	swait.ge [sflag:s29], $0x1  }
0xbf: {  	[sflag:s29] =	ssyncadd.s32 $0xFFFFFFFF  }
0xc0: {  	_ =	strace $0x90000048  }
0xc1: {  	_ =	sfence  }
0xc2: {  	s30 =	sld [smem:$0x0];
	_ =	sdelay $0x2  }
0xc3: {  	s31 =	sshll.u32 s1, $0xD;
	s1 =	sshrl.u32 s1, $0x2  }
0xc4: {  	s3 =	sand.u32 $0x4000, s31;
	s1 =	sadd.s32 s1, s30  }
0xc5: {  	s0 =	sor.u32 s3, s0;
	s1 =	sshll.u32 s1, $0x11  }
0xc6: {  	s0 =	sor.u32 s1, s0  }
0xc7: {  	s0 =	sadd.s32 $0x8F2B, s0  }
0xc8: {  	[sflag:s0] =	ssyncadd.remote.s32 $0x1  }
0xc9: {  	_ =	sfence.sel $0xFFFF  }
0xca: {  	[dreg:$0x0] =	wrdreg $0xFFFFFFFF;
	(pc) =	sbr.abs _section_cstart, $3  }
0xcb: {  	[dreg:$0x1] =	wrdreg $0xFFFFFFFF  }
0xcc: {  	_ =	task.clear_ibuf [dreg:s10], $0x2FFFF;
	_ =	strace $0x9FFFFFFF  }
0xcd: {  	(tm) =	ssettm $0x7FFFFFFF  }
tec
execute0_lowered:
.L_overlay_start_1:
0x0: {  	(tag) =	ssettag $0x1  }
0x1: {  	s2 =	rddreg [dreg:$0x0];
	s1 =	srdreg.scid  }
0x2: {  	s10 =	rddreg [dreg:$0x1];
	s1 =	sand.u32 $0x1, s1  }
0x3: {  	s3 =	rddreg [dreg:$0x2];
	p0 =	seq.s32 s1, $0x1  }
.Ltmp0:
0x4: {  	s11 =	rddreg [dreg:$0x3];
	(pc) =	sbr.rel @p0 .LBB2_14-.Ltmp0, $4  }
0x5: {  	s4 =	rddreg [dreg:$0x4]  }
0x6: {  	s6 =	rddreg [dreg:$0x5];
	s5 =	simm.s32 $0x0  }
0x7: {  	[smem:$0x7FF] =	sst s5  }
0x8: {  	s0 =	rddreg [dreg:$0x6];
	_ =	strace $0x80000047;
	s1 =	stileid.u32  }
0x9: {  	s5 =	smul.u32 $0xA000, s1  }
0xa: {  	s12 =	smul.u32 $0x280, s1  }
0xb: {  	s13 =	smul.u32 $0x4E2, s1  }
0xc: {  	s5 =	sshrl.u32 s5, $0x2;
	s14 =	sshrl.u32 s12, $0x3;
	s8 =	sadd.s32 s12, s6  }
0xd: {  	s7 =	sadd.s32 s2, s13;
	s5 =	sadd.s32 s5, s4;
	s4 =	sadd.s32 s12, s4  }
0xe: {  	s9 =	sadd.s32 s3, s14;
	s3 =	sadd.s32 $0x7620, s12;
	s2 =	sadd.s32 s11, s14  }
0xf: {  	v0 =	vimm.f32 $0.0e+00;
	s11 =	sadd.s32 s10, s13;
	s10 =	simm.s32 $0x40;
	s12 =	simm.s32 $0x0  }
.LBB2_2:
0x10: {  	p0 =	sne.s32 s10, $0x9FC0;
	[tilespmem:s12+$0x0] =	vst v0;
	s12 =	smov.u32 s10;
	s10 =	sadd.s32 $0x40, s10  }
.Ltmp1:
0x11: {  	(pc) =	sbr.rel @p0 .LBB2_2-.Ltmp1, $2  }
0x12: {  	_ =	sdelay $0x2  }
0x13: {  	s12 =	sshra.s32 s12, $0x2  }
0x14: {  	[tilespmem:s12+$0x0] =	vst v0;
	s10 =	simm.s32 $0x0;
	s30 =	simm.s32 $0x2800;
	s31 =	simm.s32 $0x1  }
0x15: {  	[tilespmem:s30], [sflag:$0x1] =	stream.linear.gather [hbm4b:s11+s10], $0x2710, $0x38;
	[tilespmem:$0xF320] =	vst v63  }
0x16: {  	_ =	swait.ge [sflag:s31], $0x2710  }
0x17: {  	[sflag:s31] =	ssyncset.done $0x0  }
0x18: {  	v0 =	vimm.f32 $1.000000000e+00;
	s12 =	simm.s32 $0x0;
	s11 =	simm.s32 $0x40;
	[sflag:s31] =	ssyncadd.s32 $0xFFFFD8F0  }
.LBB2_4:
0x19: {  	p0 =	sne.s32 s11, $0x9C00;
	v1 =	vld [tilespmem:s12+$0x2800];
	_ =	sdelay $0x3  }
.Ltmp2:
0x1a: {  	(pc) =	sbr.rel @p0 .LBB2_4-.Ltmp2, $2  }
0x1b: {  	_ =	sdelay $0x2  }
0x1c: {  	s12 =	sshra.s32 s11, $0x2;
	s11 =	sadd.s32 $0x40, s11;
	[tilespmem:v1+s10+$0x0] =	vst.idx.add.f32.msk $0xffff, v0  }
0x1d: {  	v1 =	vld [tilespmem:s12+$0x2800];
	_ =	sdelay $0x7  }
0x1e: {  	s29 =	simm.s32 $0x0;
	s30 =	simm.s32 $0x1;
	[tilespmem:v1+s10+$0x0] =	vst.idx.add.f32.msk $0xffff, v0  }
0x1f: {  	[spmem:s5] =	stream.linear.scatter [tilespmem:s29], [sflag:$0x1], $0x2800, $0x38;
	[tilespmem:$0xF320] =	vst v63  }
0x20: {  	_ =	swait.ge [sflag:s30], $0x2800  }
0x21: {  	[sflag:s30] =	ssyncset.done $0x0  }
0x22: {  	s11 =	simm.s32 $0x280;
	[sflag:s30] =	ssyncadd.s32 $0xFFFFD800  }
0x23: {  	s31 =	simm.s32 $0x2800;
	s13 =	simm.s32 $0x9E20;
	[bflag:$0x0] =	sbarrier.arrive $0xFFFF  }
0x24: {  	[tilespmem:s13], [sflag:$0x1] =	stream.strided.gather [spmem:s4], $0x2800, s31, s11, $0x38;
	[tilespmem:$0xF320] =	vst v63  }
0x25: {  	_ =	swait.ge [sflag:s30], $0x2800  }
0x26: {  	[sflag:s30] =	ssyncset.done $0x0  }
0x27: {  	s12 =	simm.s32 $0x0;
	[sflag:s30] =	ssyncadd.s32 $0xFFFFD800  }
0x28: {  	v0 =	vld [tilespmem:s12+$0x9E20]  }
0x29: {  	v1 =	vld [tilespmem:s12+$0xA0A0];
	_ =	sdelay $0x1  }
0x2a: {  	v2 =	vld [tilespmem:s12+$0xA320];
	_ =	sdelay $0x1  }
0x2b: {  	v3 =	vld [tilespmem:s12+$0xA5A0]  }
0x2c: {  	v0 =	vadd.f32 v1, v0  }
0x2d: {  	v1 =	vld [tilespmem:s12+$0xA820]  }
0x2e: {  	v0 =	vadd.f32 v2, v0  }
0x2f: {  	v2 =	vld [tilespmem:s12+$0xAAA0]  }
0x30: {  	v0 =	vadd.f32 v3, v0  }
0x31: {  	v3 =	vld [tilespmem:s12+$0xAD20]  }
0x32: {  	v4 =	vld [tilespmem:s12+$0xB4A0];
	v0 =	vadd.f32 v1, v0  }
0x33: {  	s10 =	simm.s32 $0x10;
	v1 =	vld [tilespmem:s12+$0xAFA0]  }
0x34: {  	v5 =	vld [tilespmem:s10+$0x9E20];
	v0 =	vadd.f32 v2, v0  }
0x35: {  	v2 =	vld [tilespmem:s12+$0xB220]  }
0x36: {  	v6 =	vld [tilespmem:s12+$0xB720];
	v0 =	vadd.f32 v3, v0  }
0x37: {  	v3 =	vld [tilespmem:s10+$0xA0A0]  }
0x38: {  	v7 =	vld [tilespmem:s12+$0xB9A0];
	v0 =	vadd.f32 v1, v0  }
0x39: {  	v1 =	vld [tilespmem:s10+$0xA320]  }
0x3a: {  	v8 =	vld [tilespmem:s12+$0xBC20];
	v0 =	vadd.f32 v2, v0  }
0x3b: {  	s11 =	simm.s32 $0x20;
	v2 =	vld [tilespmem:s10+$0xA5A0]  }
0x3c: {  	v9 =	vld [tilespmem:s11+$0xA820];
	v3 =	vadd.f32 v3, v5;
	v0 =	vadd.f32 v4, v0  }
0x3d: {  	v4 =	vld [tilespmem:s10+$0xA820]  }
0x3e: {  	v1 =	vadd.f32 v1, v3;
	v3 =	vld [tilespmem:s10+$0xAAA0];
	v0 =	vadd.f32 v6, v0  }
0x3f: {  	v6 =	vld [tilespmem:s12+$0xBEA0]  }
0x40: {  	v1 =	vadd.f32 v2, v1;
	v2 =	vld [tilespmem:s10+$0xAD20];
	v0 =	vadd.f32 v7, v0  }
0x41: {  	v7 =	vld [tilespmem:s12+$0xC120]  }
0x42: {  	v5 =	vld [tilespmem:s12+$0xC3A0];
	v1 =	vadd.f32 v4, v1;
	v0 =	vadd.f32 v8, v0  }
0x43: {  	v4 =	vld [tilespmem:s10+$0xAFA0]  }
0x44: {  	v1 =	vadd.f32 v3, v1;
	v3 =	vld [tilespmem:s10+$0xB220];
	v0 =	vadd.f32 v6, v0  }
0x45: {  	v6 =	vld [tilespmem:s11+$0x9E20]  }
0x46: {  	v1 =	vadd.f32 v2, v1;
	v2 =	vld [tilespmem:s11+$0xA0A0];
	v0 =	vadd.f32 v7, v0  }
0x47: {  	v8 =	vld [tilespmem:s10+$0xB4A0]  }
0x48: {  	v1 =	vadd.f32 v4, v1;
	v4 =	vld [tilespmem:s11+$0xA320];
	v0 =	vadd.f32 v5, v0  }
0x49: {  	v7 =	vld [tilespmem:s10+$0xB720]  }
0x4a: {  	v1 =	vadd.f32 v3, v1;
	v3 =	vld [tilespmem:s11+$0xA5A0];
	v0 =	vadd.f32 $1.000000000e+00, v0  }
0x4b: {  	v5 =	vld [tilespmem:s10+$0xB9A0];
	v2 =	vadd.f32 v2, v6  }
0x4c: {  	v11 =	vld [tilespmem:s10+$0xBEA0];
	v8 =	vadd.f32 v8, v1;
	v10 =	vshrl.u32 v0, $0x1;
	v1 =	vmul.f32 $5.000000000e-01, v0  }
0x4d: {  	v6 =	vld [tilespmem:s10+$0xBC20];
	v2 =	vadd.f32 v4, v2;
	v10 =	vsub.s32 $0x5F3759DF, v10  }
0x4e: {  	v4 =	vadd.f32 v7, v8;
	v7 =	vld [tilespmem:s11+$0xAAA0];
	v8 =	vmul.f32 v10, v1  }
0x4f: {  	v12 =	vld [tilespmem:s10+$0xC120];
	v2 =	vadd.f32 v3, v2  }
0x50: {  	v3 =	vadd.f32 v5, v4;
	v5 =	vld [tilespmem:s11+$0xAD20];
	v4 =	vmul.f32 v10, v8  }
0x51: {  	v0 =	vld [tilespmem:s10+$0xC3A0];
	v8 =	vadd.f32 v9, v2  }
0x52: {  	v6 =	vadd.f32 v6, v3;
	v3 =	vld [tilespmem:s11+$0xAFA0];
	v9 =	vsub.f32 $1.500000000e+00, v4  }
0x53: {  	v2 =	vld [tilespmem:s11+$0xB4A0];
	v7 =	vadd.f32 v7, v8  }
0x54: {  	s13 =	simm.s32 $0x30;
	v4 =	vld [tilespmem:s11+$0xB220];
	v11 =	vadd.f32 v11, v6;
	v6 =	vmul.f32 v10, v9  }
0x55: {  	v8 =	vld [tilespmem:s13+$0x9E20];
	v7 =	vadd.f32 v5, v7  }
0x56: {  	s14 =	simm.s32 $0x100;
	v9 =	vld [tilespmem:s13+$0xA0A0];
	v5 =	vadd.f32 v12, v11;
	v10 =	vmul.f32 v6, v1  }
.LBB2_6:
0x57: {  	p0 =	sne.s32 s14, $0x9C0;
	v3 =	vadd.f32 v3, v7;
	v7 =	vld [tilespmem:s11+$0xB720];
	s15 =	smov.u32 s11;
	s11 =	smov.u32 s13  }
0x58: {  	v11 =	vld [tilespmem:s11+$0xA320];
	v0 =	vadd.f32 v0, v5;
	v5 =	vmul.f32 v10, v6  }
0x59: {  	v3 =	vadd.f32 v4, v3;
	v4 =	vld [tilespmem:s15+$0xB9A0]  }
0x5a: {  	v10 =	vld [tilespmem:s11+$0xA5A0];
	v0 =	vadd.f32 $1.000000000e+00, v0;
	v5 =	vsub.f32 $1.500000000e+00, v5  }
0x5b: {  	v8 =	vadd.f32 v9, v8;
	v2 =	vadd.f32 v2, v3;
	v3 =	vld [tilespmem:s15+$0xBC20]  }
0x5c: {  	v9 =	vld [tilespmem:s11+$0xA820];
	v12 =	vshrl.u32 v0, $0x1;
	v13 =	vmul.f32 $5.000000000e-01, v0;
	v5 =	vmul.f32 v5, v6  }
0x5d: {  	v6 =	vadd.f32 v11, v8;
	v2 =	vadd.f32 v7, v2;
	v0 =	vld [tilespmem:s15+$0xC3A0];
	v7 =	vsub.s32 $0x5F3759DF, v12  }
0x5e: {  	v8 =	vld [tilespmem:s11+$0xAAA0];
	v11 =	vmul.f32 v7, v13;
	v12 =	vmul.f32 v5, v1;
	v1 =	vmov v13  }
0x5f: {  	v6 =	vadd.f32 v10, v6;
	v2 =	vadd.f32 v4, v2;
	v10 =	vld [tilespmem:s15+$0xBEA0]  }
0x60: {  	v13 =	vld [tilespmem:s11+$0xAD20];
	v4 =	vmul.f32 v7, v11;
	v11 =	vmul.f32 v12, v5  }
0x61: {  	v6 =	vadd.f32 v9, v6;
	v9 =	vadd.f32 v3, v2;
	v12 =	vld [tilespmem:s15+$0xC120]  }
.Ltmp3:
0x62: {  	v3 =	vld [tilespmem:s11+$0xAFA0];
	v14 =	vsub.f32 $1.500000000e+00, v4;
	v11 =	vsub.f32 $1.500000000e+00, v11;
	(pc) =	sbr.rel @p0 .LBB2_6-.Ltmp3, $4  }
0x63: {  	v15 =	vadd.f32 v8, v6;
	v2 =	vld [tilespmem:s11+$0xB4A0]  }
0x64: {  	s13 =	sshra.s32 s14, $0x2;
	v4 =	vld [tilespmem:s11+$0xB220];
	v10 =	vadd.f32 v10, v9;
	v6 =	vmul.f32 v7, v14;
	v11 =	vmul.f32 v11, v5  }
0x65: {  	v8 =	vld [tilespmem:s13+$0x9E20];
	v7 =	vadd.f32 v13, v15  }
0x66: {  	s14 =	sadd.s32 $0x40, s14;
	v9 =	vld [tilespmem:s13+$0xA0A0];
	v5 =	vadd.f32 v12, v10;
	v10 =	vmul.f32 v6, v1;
	[tilespmem:s12+$0xC620] =	vst v11;
	s12 =	smov.u32 s10;
	s10 =	smov.u32 s15  }
0x67: {  	_ = 	snop  }
0x68: {  	v11 =	vld [tilespmem:s13+$0xA320]  }
0x69: {  	v10 =	vmul.f32 v10, v6  }
0x6a: {  	v12 =	vld [tilespmem:s13+$0xA5A0]  }
0x6b: {  	v10 =	vsub.f32 $1.500000000e+00, v10;
	v8 =	vadd.f32 v9, v8  }
0x6c: {  	v40 =	vld [tilespmem:s13+$0xA820]  }
0x6d: {  	v13 =	vld [tilespmem:s11+$0xB720];
	v41 =	vmul.f32 v10, v6;
	v8 =	vadd.f32 v11, v8  }
0x6e: {  	v42 =	vld [tilespmem:s13+$0xAAA0]  }
0x6f: {  	v14 =	vld [tilespmem:s11+$0xB9A0];
	v1 =	vmul.f32 v41, v1;
	v8 =	vadd.f32 v12, v8  }
0x70: {  	v44 =	vld [tilespmem:s13+$0xAD20]  }
0x71: {  	v43 =	vld [tilespmem:s11+$0xBC20];
	v1 =	vmul.f32 v1, v41;
	v8 =	vadd.f32 v40, v8  }
0x72: {  	v45 =	vld [tilespmem:s13+$0xAFA0]  }
0x73: {  	v15 =	vld [tilespmem:s11+$0xC3A0];
	v1 =	vsub.f32 $1.500000000e+00, v1;
	v8 =	vadd.f32 v42, v8  }
0x74: {  	v46 =	vld [tilespmem:s13+$0xB220];
	v3 =	vadd.f32 v3, v7  }
0x75: {  	v16 =	vld [tilespmem:s11+$0xBEA0];
	v1 =	vmul.f32 v1, v41;
	v47 =	vadd.f32 v44, v8  }
0x76: {  	v49 =	vld [tilespmem:s13+$0xB4A0];
	v3 =	vadd.f32 v4, v3  }
0x77: {  	v48 =	vld [tilespmem:s11+$0xC120];
	[tilespmem:s12+$0xC620] =	vst v1;
	v1 =	vadd.f32 v45, v47  }
0x78: {  	v2 =	vadd.f32 v2, v3;
	v50 =	vld [tilespmem:s13+$0xB720]  }
0x79: {  	v1 =	vadd.f32 v46, v1  }
0x7a: {  	v2 =	vadd.f32 v13, v2;
	v3 =	vld [tilespmem:s13+$0xB9A0]  }
0x7b: {  	v1 =	vadd.f32 v49, v1  }
0x7c: {  	v2 =	vadd.f32 v14, v2;
	v51 =	vld [tilespmem:s13+$0xBC20]  }
0x7d: {  	v1 =	vadd.f32 v50, v1  }
0x7e: {  	v2 =	vadd.f32 v43, v2;
	v52 =	vld [tilespmem:s13+$0xBEA0]  }
0x7f: {  	v1 =	vadd.f32 v3, v1  }
0x80: {  	v2 =	vadd.f32 v16, v2;
	v3 =	vld [tilespmem:s13+$0xC120]  }
0x81: {  	v1 =	vadd.f32 v51, v1  }
0x82: {  	v2 =	vadd.f32 v48, v2;
	v53 =	vld [tilespmem:s13+$0xC3A0]  }
0x83: {  	v1 =	vadd.f32 v52, v1  }
0x84: {  	v2 =	vadd.f32 v15, v2  }
0x85: {  	v0 =	vadd.f32 v0, v5;
	v1 =	vadd.f32 v3, v1  }
0x86: {  	v2 =	vadd.f32 $1.000000000e+00, v2  }
0x87: {  	v0 =	vadd.f32 $1.000000000e+00, v0;
	v1 =	vadd.f32 v53, v1  }
0x88: {  	v55 =	vshrl.u32 v2, $0x1  }
0x89: {  	v3 =	vshrl.u32 v0, $0x1;
	v0 =	vmul.f32 $5.000000000e-01, v0;
	v1 =	vadd.f32 $1.000000000e+00, v1  }
0x8a: {  	v2 =	vmul.f32 $5.000000000e-01, v2;
	v5 =	vsub.s32 $0x5F3759DF, v55;
	v3 =	vsub.s32 $0x5F3759DF, v3  }
0x8b: {  	v54 =	vmul.f32 v3, v0;
	v56 =	vshrl.u32 v1, $0x1;
	v1 =	vmul.f32 $5.000000000e-01, v1  }
0x8c: {  	v57 =	vmul.f32 v5, v2;
	v6 =	vsub.s32 $0x5F3759DF, v56  }
0x8d: {  	v4 =	vmul.f32 v3, v54;
	v58 =	vmul.f32 v6, v1  }
0x8e: {  	v7 =	vmul.f32 v5, v57  }
0x8f: {  	v4 =	vsub.f32 $1.500000000e+00, v4;
	v8 =	vmul.f32 v6, v58  }
0x90: {  	v7 =	vsub.f32 $1.500000000e+00, v7  }
0x91: {  	v3 =	vmul.f32 v3, v4;
	v59 =	vsub.f32 $1.500000000e+00, v8  }
0x92: {  	v5 =	vmul.f32 v5, v7  }
0x93: {  	v60 =	vmul.f32 v3, v0;
	v4 =	vmul.f32 v6, v59  }
0x94: {  	v61 =	vmul.f32 v5, v2  }
0x95: {  	v7 =	vmul.f32 v60, v3;
	v62 =	vmul.f32 v4, v1  }
0x96: {  	v6 =	vmul.f32 v61, v5  }
0x97: {  	v7 =	vsub.f32 $1.500000000e+00, v7;
	v8 =	vmul.f32 v62, v4  }
0x98: {  	v6 =	vsub.f32 $1.500000000e+00, v6  }
0x99: {  	v3 =	vmul.f32 v7, v3;
	v63 =	vsub.f32 $1.500000000e+00, v8  }
0x9a: {  	v5 =	vmul.f32 v6, v5  }
0x9b: {  	v0 =	vmul.f32 v3, v0;
	v4 =	vmul.f32 v63, v4  }
0x9c: {  	v2 =	vmul.f32 v5, v2  }
0x9d: {  	v0 =	vmul.f32 v0, v3;
	v1 =	vmul.f32 v4, v1  }
0x9e: {  	v2 =	vmul.f32 v2, v5  }
0x9f: {  	v0 =	vsub.f32 $1.500000000e+00, v0;
	v1 =	vmul.f32 v1, v4  }
0xa0: {  	v2 =	vsub.f32 $1.500000000e+00, v2  }
0xa1: {  	v0 =	vmul.f32 v0, v3;
	v1 =	vsub.f32 $1.500000000e+00, v1  }
0xa2: {  	v2 =	vmul.f32 v2, v5  }
0xa3: {  	[tilespmem:s10+$0xC620] =	vst v0;
	v0 =	vmul.f32 v1, v4  }
0xa4: {  	[tilespmem:s11+$0xC620] =	vst v2  }
0xa5: {  	s28 =	simm.s32 $0xC620;
	s29 =	simm.s32 $0x1;
	s10 =	simm.s32 $0x0;
	[tilespmem:s13+$0xC620] =	vst v0  }
0xa6: {  	[hbm4b:s9+s10] =	stream.linear.scatter [tilespmem:s28], [sflag:$0x1], $0x280, $0x38;
	[tilespmem:$0xF320] =	vst v63  }
0xa7: {  	_ =	swait.ge [sflag:s29], $0x280  }
0xa8: {  	[sflag:s29] =	ssyncset.done $0x0  }
0xa9: {  	[sflag:s29] =	ssyncadd.s32 $0xFFFFFD80  }
0xaa: {  	[spmem:s8] =	stream.linear.scatter [tilespmem:s28], [sflag:$0x1], $0x280, $0x38;
	[tilespmem:$0xF320] =	vst v63  }
0xab: {  	_ =	swait.ge [sflag:s29], $0x280  }
0xac: {  	[sflag:s29] =	ssyncset.done $0x0  }
0xad: {  	[sflag:s29] =	ssyncadd.s32 $0xFFFFFD80  }
0xae: {  	s30 =	simm.s32 $0x7620;
	[bflag:$0x0] =	sbarrier.arrive $0xFFFF  }
0xaf: {  	[tilespmem:s30], [sflag:$0x1] =	stream.linear.gather [spmem:s6], $0x2800, $0x38;
	[tilespmem:$0xF320] =	vst v63  }
0xb0: {  	_ =	swait.ge [sflag:s29], $0x2800  }
0xb1: {  	[sflag:s29] =	ssyncset.done $0x0  }
0xb2: {  	s31 =	simm.s32 $0x4F10;
	[sflag:s29] =	ssyncadd.s32 $0xFFFFD800  }
0xb3: {  	[tilespmem:s31], [sflag:$0x1] =	stream.linear.gather [hbm4b:s7+s10], $0x2710, $0x38;
	[tilespmem:$0xF320] =	vst v63  }
0xb4: {  	_ =	swait.ge [sflag:s29], $0x2710  }
0xb5: {  	[sflag:s29] =	ssyncset.done $0x0  }
0xb6: {  	v0 =	vimm.f32 $0.0e+00;
	[sflag:s29] =	ssyncadd.s32 $0xFFFFD8F0  }
.LBB2_8:
0xb7: {  	p0 =	sne.s32 s10, $0x9FC0  }
.Ltmp4:
0xb8: {  	_ = 	snop;
	(pc) =	sbr.rel @p0 .LBB2_8-.Ltmp4, $3  }
0xb9: {  	_ =	sdelay $0x1  }
0xba: {  	s6 =	sshra.s32 s10, $0x2  }
0xbb: {  	s10 =	sadd.s32 $0x40, s10;
	[tilespmem:s6+$0x0] =	vst v0  }
0xbc: {  	s6 =	simm.s32 $0x7620  }
0xbd: {  	s7 =	simm.s32 $0x0;
	s9 =	simm.s32 $0x0;
	s8 =	simm.s32 $0x40  }
.LBB2_10:
0xbe: {  	p0 =	sne.s32 s8, $0x9C00;
	v0 =	vld [tilespmem:s9+$0x2800];
	_ =	sdelay $0x5  }
0xbf: {  	v1 =	vld [tilespmem:s9+$0x4F10];
	_ =	sdelay $0x1  }
0xc0: {  	v0 =	vld.idx.msk [tilespmem:v0+s6+$0x0], $0xffff;
	_ =	sdelay $0x1  }
.Ltmp5:
0xc1: {  	(pc) =	sbr.rel @p0 .LBB2_10-.Ltmp5, $2  }
0xc2: {  	_ =	sdelay $0x2  }
0xc3: {  	s9 =	sshra.s32 s8, $0x2;
	s8 =	sadd.s32 $0x40, s8;
	[tilespmem:v1+s7+$0x0] =	vst.idx.add.f32.msk $0xffff, v0  }
0xc4: {  	v0 =	vld [tilespmem:s9+$0x2800];
	_ =	sdelay $0x4  }
0xc5: {  	v1 =	vld [tilespmem:s9+$0x4F10];
	_ =	sdelay $0x2  }
0xc6: {  	v0 =	vld.idx.msk [tilespmem:v0+s6+$0x0], $0xffff;
	_ =	sdelay $0x4  }
0xc7: {  	s28 =	simm.s32 $0x0;
	s29 =	simm.s32 $0x1;
	[tilespmem:v1+s7+$0x0] =	vst.idx.add.f32.msk $0xffff, v0  }
0xc8: {  	[spmem:s5] =	stream.linear.scatter [tilespmem:s28], [sflag:$0x1], $0x2800, $0x38;
	[tilespmem:$0xF320] =	vst v63  }
0xc9: {  	_ =	swait.ge [sflag:s29], $0x2800  }
0xca: {  	[sflag:s29] =	ssyncset.done $0x0  }
0xcb: {  	s30 =	simm.s32 $0x280;
	[sflag:s29] =	ssyncadd.s32 $0xFFFFD800  }
0xcc: {  	s31 =	simm.s32 $0x2800;
	s8 =	simm.s32 $0x9E20;
	[bflag:$0x0] =	sbarrier.arrive $0xFFFF  }
0xcd: {  	[tilespmem:s8], [sflag:$0x1] =	stream.strided.gather [spmem:s4], $0x2800, s31, s30, $0x38;
	[tilespmem:$0xF320] =	vst v63  }
0xce: {  	_ =	swait.ge [sflag:s29], $0x2800  }
0xcf: {  	[sflag:s29] =	ssyncset.done $0x0  }
0xd0: {  	s5 =	simm.s32 $0x0;
	[sflag:s29] =	ssyncadd.s32 $0xFFFFD800  }
0xd1: {  	v0 =	vld [tilespmem:s5+$0x9E20]  }
0xd2: {  	v1 =	vld [tilespmem:s5+$0xA0A0];
	_ =	sdelay $0x1  }
0xd3: {  	v2 =	vld [tilespmem:s5+$0xA320];
	_ =	sdelay $0x1  }
0xd4: {  	v3 =	vld [tilespmem:s5+$0xA5A0]  }
0xd5: {  	v0 =	vadd.f32 v1, v0  }
0xd6: {  	v1 =	vld [tilespmem:s5+$0xA820]  }
0xd7: {  	v0 =	vadd.f32 v2, v0  }
0xd8: {  	v2 =	vld [tilespmem:s5+$0xAAA0]  }
0xd9: {  	v0 =	vadd.f32 v3, v0  }
0xda: {  	v3 =	vld [tilespmem:s5+$0xAD20]  }
0xdb: {  	v0 =	vadd.f32 v1, v0  }
0xdc: {  	v1 =	vld [tilespmem:s5+$0xAFA0]  }
0xdd: {  	v8 =	vld [tilespmem:s5+$0xC3A0];
	v0 =	vadd.f32 v2, v0  }
0xde: {  	s4 =	simm.s32 $0x10;
	v2 =	vld [tilespmem:s5+$0xB220]  }
0xdf: {  	v4 =	vld [tilespmem:s4+$0x9E20];
	v0 =	vadd.f32 v3, v0  }
0xe0: {  	v3 =	vld [tilespmem:s5+$0xB4A0]  }
0xe1: {  	v5 =	vld [tilespmem:s4+$0xA0A0];
	v0 =	vadd.f32 v1, v0  }
0xe2: {  	v1 =	vld [tilespmem:s5+$0xB720]  }
0xe3: {  	v6 =	vld [tilespmem:s4+$0xA320];
	v0 =	vadd.f32 v2, v0  }
0xe4: {  	v2 =	vld [tilespmem:s5+$0xB9A0]  }
0xe5: {  	v7 =	vld [tilespmem:s4+$0xA5A0];
	v0 =	vadd.f32 v3, v0  }
0xe6: {  	v4 =	vadd.f32 v5, v4;
	v3 =	vld [tilespmem:s5+$0xBC20]  }
0xe7: {  	v5 =	vld [tilespmem:s4+$0xA820];
	v1 =	vadd.f32 v1, v0  }
0xe8: {  	v9 =	vld [tilespmem:s5+$0xBEA0];
	v4 =	vadd.f32 v6, v4;
	v0 =	vmov s3  }
0xe9: {  	v6 =	vld [tilespmem:s4+$0xAAA0];
	v1 =	vadd.f32 v2, v1  }
0xea: {  	v10 =	vld [tilespmem:s5+$0xC120];
	v2 =	vadd.f32 v7, v4  }
0xeb: {  	v7 =	vld [tilespmem:s4+$0xAD20];
	v1 =	vadd.f32 v3, v1  }
0xec: {  	v3 =	vld [tilespmem:s4+$0xAFA0];
	v4 =	vadd.f32 v5, v2  }
0xed: {  	v2 =	vld.idx.msk [tilespmem:v0+s5+$0x0 ss:$0x1], $0xffff;
	v5 =	vadd.f32 v9, v1  }
0xee: {  	v1 =	vld [tilespmem:s4+$0xC3A0];
	v9 =	vadd.f32 v6, v4  }
0xef: {  	v6 =	vld [tilespmem:s4+$0xB220];
	v10 =	vadd.f32 v10, v5  }
0xf0: {  	s3 =	simm.s32 $0x20;
	v4 =	vld [tilespmem:s4+$0xB4A0];
	v7 =	vadd.f32 v7, v9  }
0xf1: {  	s6 =	simm.s32 $0xC0;
	v5 =	vld [tilespmem:s3+$0x9E20];
	v8 =	vadd.f32 v8, v10  }
.LBB2_12:
0xf2: {  	p0 =	sne.s32 s6, $0x9C0;
	v9 =	vld [tilespmem:s3+$0xA0A0];
	v3 =	vadd.f32 v3, v7  }
0xf3: {  	v7 =	vld [tilespmem:s4+$0xB720];
	v8 =	vadd.f32 v2, v8;
	v10 =	vmov v1  }
0xf4: {  	v1 =	vld [tilespmem:s3+$0xA320];
	v3 =	vadd.f32 v6, v3  }
0xf5: {  	v6 =	vld [tilespmem:s4+$0xB9A0];
	v2 =	vmul.f32 v8, v2  }
0xf6: {  	v8 =	vld [tilespmem:s3+$0xA5A0];
	v3 =	vadd.f32 v4, v3  }
0xf7: {  	v4 =	vadd.f32 v9, v5;
	v5 =	vld [tilespmem:s4+$0xBC20];
	[tilespmem:s5+$0xC620] =	vst v2;
	s5 =	smov.u32 s4;
	s4 =	smov.u32 s3  }
0xf8: {  	v2 =	vld [tilespmem:s4+$0xA820];
	v3 =	vadd.f32 v7, v3  }
0xf9: {  	v1 =	vadd.f32 v1, v4;
	v4 =	vld [tilespmem:s5+$0xBEA0]  }
0xfa: {  	v7 =	vld [tilespmem:s4+$0xAAA0];
	v3 =	vadd.f32 v6, v3  }
0xfb: {  	v1 =	vadd.f32 v8, v1;
	v8 =	vld [tilespmem:s5+$0xC120]  }
0xfc: {  	v9 =	vld [tilespmem:s4+$0xAD20];
	v5 =	vadd.f32 v5, v3  }
0xfd: {  	v1 =	vadd.f32 v2, v1;
	v3 =	vld [tilespmem:s4+$0xAFA0]  }
.Ltmp6:
0xfe: {  	v4 =	vadd.f32 v4, v5;
	v2 =	vld.idx.msk [tilespmem:v0+s5+$0x0 ss:$0x1], $0xffff;
	(pc) =	sbr.rel @p0 .LBB2_12-.Ltmp6, $4  }
0xff: {  	v5 =	vadd.f32 v7, v1;
	v1 =	vld [tilespmem:s4+$0xC3A0]  }
0x100: {  	v6 =	vld [tilespmem:s4+$0xB220];
	v8 =	vadd.f32 v8, v4  }
0x101: {  	s3 =	sshra.s32 s6, $0x2;
	v7 =	vadd.f32 v9, v5;
	v4 =	vld [tilespmem:s4+$0xB4A0]  }
0x102: {  	s6 =	sadd.s32 $0x40, s6;
	v5 =	vld [tilespmem:s3+$0x9E20];
	v8 =	vadd.f32 v10, v8  }
0x103: {  	v9 =	vld [tilespmem:s3+$0xA0A0]  }
0x104: {  	v10 =	vld [tilespmem:s4+$0xB720];
	v3 =	vadd.f32 v3, v7;
	v43 =	vadd.f32 v2, v8  }
0x105: {  	v44 =	vld [tilespmem:s3+$0xA320]  }
0x106: {  	v11 =	vld [tilespmem:s4+$0xB9A0];
	v3 =	vadd.f32 v6, v3;
	v2 =	vmul.f32 v43, v2  }
0x107: {  	v45 =	vld [tilespmem:s3+$0xA5A0]  }
0x108: {  	v46 =	vld [tilespmem:s4+$0xBC20];
	v3 =	vadd.f32 v4, v3;
	v47 =	vadd.f32 v9, v5;
	[tilespmem:s5+$0xC620] =	vst v2  }
0x109: {  	v2 =	vld [tilespmem:s3+$0xA820]  }
0x10a: {  	v3 =	vadd.f32 v10, v3;
	v48 =	vld [tilespmem:s4+$0xBEA0];
	v4 =	vadd.f32 v44, v47  }
0x10b: {  	v49 =	vld [tilespmem:s3+$0xAAA0]  }
0x10c: {  	v50 =	vld [tilespmem:s4+$0xC120];
	v3 =	vadd.f32 v11, v3;
	v4 =	vadd.f32 v45, v4  }
0x10d: {  	v51 =	vld [tilespmem:s3+$0xAD20]  }
0x10e: {  	v3 =	vadd.f32 v46, v3;
	v2 =	vadd.f32 v2, v4  }
0x10f: {  	v52 =	vld [tilespmem:s3+$0xAFA0]  }
0x110: {  	v53 =	vld.idx.msk [tilespmem:v0+s4+$0x0 ss:$0x1], $0xffff;
	v3 =	vadd.f32 v48, v3;
	v2 =	vadd.f32 v49, v2  }
0x111: {  	v54 =	vld [tilespmem:s3+$0xB220]  }
0x112: {  	v3 =	vadd.f32 v50, v3;
	v2 =	vadd.f32 v51, v2  }
0x113: {  	v55 =	vld [tilespmem:s3+$0xB4A0]  }
0x114: {  	v1 =	vadd.f32 v1, v3;
	v2 =	vadd.f32 v52, v2  }
0x115: {  	v56 =	vld [tilespmem:s3+$0xB720]  }
0x116: {  	v1 =	vadd.f32 v53, v1;
	v2 =	vadd.f32 v54, v2  }
0x117: {  	v57 =	vld [tilespmem:s3+$0xB9A0]  }
0x118: {  	v1 =	vmul.f32 v1, v53;
	v2 =	vadd.f32 v55, v2  }
0x119: {  	v59 =	vld [tilespmem:s3+$0xBC20]  }
0x11a: {  	v58 =	vld [tilespmem:s3+$0xC3A0];
	[tilespmem:s4+$0xC620] =	vst v1;
	v60 =	vadd.f32 v56, v2  }
0x11b: {  	v61 =	vld [tilespmem:s3+$0xBEA0]  }
0x11c: {  	v1 =	vadd.f32 v57, v60  }
0x11d: {  	v62 =	vld [tilespmem:s3+$0xC120]  }
0x11e: {  	v1 =	vadd.f32 v59, v1;
	_ =	sdelay $0x1  }
0x11f: {  	v1 =	vadd.f32 v61, v1  }
0x120: {  	v63 =	vld.idx.msk [tilespmem:v0+s3+$0x0 ss:$0x1], $0xffff  }
0x121: {  	v1 =	vadd.f32 v62, v1;
	_ =	sdelay $0x1  }
0x122: {  	v1 =	vadd.f32 v58, v1;
	_ =	sdelay $0x1  }
0x123: {  	v1 =	vadd.f32 v63, v1;
	_ =	sdelay $0x1  }
0x124: {  	v0 =	vmul.f32 v1, v63;
	_ =	sdelay $0x1  }
0x125: {  	s29 =	simm.s32 $0x0;
	s30 =	simm.s32 $0xC620;
	s31 =	simm.s32 $0x1;
	[tilespmem:s3+$0xC620] =	vst v0  }
0x126: {  	[hbm4b:s2+s29] =	stream.linear.scatter [tilespmem:s30], [sflag:$0x1], $0x280, $0x38;
	[tilespmem:$0xF320] =	vst v63  }
0x127: {  	_ =	swait.ge [sflag:s31], $0x280  }
0x128: {  	[sflag:s31] =	ssyncset.done $0x0  }
0x129: {  	[sflag:s31] =	ssyncadd.s32 $0xFFFFFD80  }
.LBB2_14:
0x12a: {  	_ =	sfence.sel $0x180000  }
0x12b: {  	[bflag:$0x0] =	sbarrier.arrive $0xFFFF  }
0x12c: {  	p0 =	sne.s32 s1, $0x0;
	_ =	strace $0x90000047  }
0x12d: {  	s0 =	sadd.s32 @!p0 $0x100000, s0;
	[bflag:$0x2] =	sbarrier.arrive $0xFFFF  }
0x12e: {  	[sflag:s0] =	ssyncadd.tile.s32 @!p0 $0x1;
	_ =	shalt  }
.Lfunc_end2:
_tile_overlayer_lowered:
.L_overlay_start_2:
0x12f: {  	(tag) =	ssettag $0x2  }
0x130: {  	s0 =	rddreg [dreg:$0x0];
	s2 =	stileid.u32  }
0x131: {  	s1 =	rddreg [dreg:$0x1];
	p0 =	sne.s32 s2, $0x0  }
0x132: {  	s3 =	rddreg [dreg:$0x2];
	[bflag:$0x3] =	sbarrier.arrive $0xFFFF;
	s2 =	simm.s32 @!p0 $0x1C01  }
0x133: {  	[timem:s3], [sflag:s2] =	dma.local @!p0 [hbm:s0], s1  }
0x134: {  	s0 =	simm.s32 @!p0 $0x1  }
0x135: {  	_ =	swait.ge @!p0 [sflag:s0], s1  }
0x136: {  	s1 =	ssub.s32 @!p0 $0x0, s1;
	[sflag:s0] =	ssyncset.done @!p0 $0x0  }
0x137: {  	[sflag:s0] =	ssyncadd.s32 @!p0 s1  }
0x138: {  	[bflag:$0x3] =	sbarrier.arrive $0xFFFF  }
0x139: {  	_ =	shalt  }

</sc_bundles>
